<compile_context>
chip_gen: v7x
topology: tpu7x:2x2x1
jax: 0.10.2.dev20260603
libtpu: 0.0.44.dev20260713+nightly
codegen_flags: <defaults>
</compile_context>

<pallas_src>
import jax
import jax.numpy as jnp
from jax import lax
from jax.experimental import pallas as pl
from jax.experimental.pallas import tpu as pltpu
from jax.experimental.pallas import tpu_sc as plsc

N = 10000
E = 160000
D_IN = 256
D_H = 512
D_OUT = 256
N_GRAPHS = 32

NC = 2
NS = 16
HALF = 128

def _mesh():
    return plsc.VectorSubcoreMesh(
        core_axis_name="c", subcore_axis_name="s", num_cores=NC, num_subcores=NS
    )


_DEG_CH = 1000
_DEG_PER_W = E // (NC * NS)


def _deg_sc(dst, ones_rows, zeros16):
    return pl.kernel(
        _deg_sc_body,
        mesh=_mesh(),
        out_type=jax.ShapeDtypeStruct((NC, N), jnp.float32),
        scratch_types=[
            pltpu.VMEM((_DEG_CH,), jnp.int32),
            pltpu.VMEM((_DEG_CH,), jnp.float32),
            pltpu.VMEM_SHARED((N,), jnp.float32),
        ],
    )(dst, ones_rows, zeros16)


def _deg_sc_body(dst_hbm, ones_hbm, z16_hbm, out_hbm, idx_v, ones_v, acc):
    c = lax.axis_index("c")
    s = lax.axis_index("s")
    wid = c * NS + s

    @pl.when(s == 0)
    def _():
        pltpu.sync_copy(z16_hbm, acc)

    pltpu.sync_copy(ones_hbm, ones_v)
    plsc.subcore_barrier()
    base = wid * _DEG_PER_W

    @pl.loop(0, _DEG_PER_W // _DEG_CH)
    def _(i):
        pltpu.sync_copy(dst_hbm.at[pl.ds(base + i * _DEG_CH, _DEG_CH)], idx_v)
        pltpu.sync_copy(ones_v, acc.at[idx_v], add=True)

    plsc.subcore_barrier()

    @pl.when(s == 0)
    def _():
        pltpu.sync_copy(acc, out_hbm.at[c])


_AGG_CH = 80
_AGG_PER_W = E // NS
_N_CHUNKS = _AGG_PER_W // _AGG_CH



def _agg_sc(xs_flat, src, dst, zeros_big):
    return pl.kernel(
        _agg_sc_body,
        mesh=_mesh(),
        out_type=jax.ShapeDtypeStruct((NC, N, HALF), jnp.float32),
        scratch_types=[
            pltpu.VMEM((_AGG_CH,), jnp.int32),
            pltpu.VMEM((_AGG_CH,), jnp.int32),
            pltpu.VMEM((_AGG_CH, HALF), jnp.float32),
            pltpu.VMEM((_AGG_CH,), jnp.int32),
            pltpu.VMEM((_AGG_CH,), jnp.int32),
            pltpu.VMEM((_AGG_CH, HALF), jnp.float32),
            pltpu.VMEM_SHARED((N, HALF), jnp.float32),
            pltpu.SemaphoreType.DMA,
            pltpu.SemaphoreType.DMA,
        ],
    )(xs_flat, src, dst, zeros_big)


def _slab_16(s, n, fn):
    per = (n // NS) & ~7
    last = n - 15 * per

    @pl.when(s < NS - 1)
    def _():
        fn(pl.multiple_of(s * per, 8), per)

    @pl.when(s == NS - 1)
    def _():
        fn((NS - 1) * per, last)


def _agg_sc_body(xs_hbm, src_hbm, dst_hbm, z_hbm, out_hbm,
                 src_va, dst_va, rows_va, src_vb, dst_vb, rows_vb, acc,
                 sem_a, sem_b):
    c = lax.axis_index("c")
    s = lax.axis_index("s")
    base = s * _AGG_PER_W
    off = c * N

    def init(b, sz):
        pltpu.sync_copy(z_hbm.at[pl.ds(b, sz)], acc.at[pl.ds(b, sz)])

    _slab_16(s, N, init)
    plsc.subcore_barrier()

    def load_start(i, src_v, dst_v, rows_v, sem):
        e0 = base + i * _AGG_CH
        pltpu.sync_copy(src_hbm.at[pl.ds(e0, _AGG_CH)], src_v)
        pltpu.sync_copy(dst_hbm.at[pl.ds(e0, _AGG_CH)], dst_v)

        @pl.loop(0, _AGG_CH, step=16)
        def _(j):
            src_v[pl.ds(j, 16)] = src_v[pl.ds(j, 16)] + off

        pltpu.async_copy(xs_hbm.at[src_v], rows_v, sem)

    def finish(rows_v, dst_v, sem):
        pltpu.make_async_copy(xs_hbm.at[pl.ds(0, _AGG_CH)],
                              rows_v, sem).wait()
        pltpu.sync_copy(rows_v, acc.at[dst_v], add=True)

    load_start(0, src_va, dst_va, rows_va, sem_a)

    @pl.loop(0, (_N_CHUNKS - 1) // 2)
    def _(t):
        load_start(2 * t + 1, src_vb, dst_vb, rows_vb, sem_b)
        finish(rows_va, dst_va, sem_a)
        load_start(2 * t + 2, src_va, dst_va, rows_va, sem_a)
        finish(rows_vb, dst_vb, sem_b)

    finish(rows_va, dst_va, sem_a)
    plsc.subcore_barrier()

    def writeout(b, sz):
        pltpu.sync_copy(acc.at[pl.ds(b, sz)], out_hbm.at[c].at[pl.ds(b, sz)])

    _slab_16(s, N, writeout)


_BN = 1000
_GRID = N // _BN


def _pass1_body(degp_ref, x_ref, xs_ref, dis_ref):
    dd = degp_ref[...]
    deg = dd[0, :, 0] + dd[1, :, 0] + 1.0
    dis = lax.rsqrt(deg)
    disc = dis[:, None]
    dis_ref[...] = disc
    xs = x_ref[...] * disc
    xs_ref[...] = jnp.transpose(xs.reshape(_BN, 2, HALF), (1, 0, 2))


def _pass1(degpart, x):
    return pl.pallas_call(
        _pass1_body,
        grid=(_GRID,),
        in_specs=[
            pl.BlockSpec((NC, _BN, 1), lambda i: (0, i, 0)),
            pl.BlockSpec((_BN, D_IN), lambda i: (i, 0)),
        ],
        out_specs=[
            pl.BlockSpec((NC, _BN, HALF), lambda i: (0, i, 0)),
            pl.BlockSpec((_BN, 1), lambda i: (i, 0)),
        ],
        out_shape=[
            jax.ShapeDtypeStruct((NC, N, HALF), jnp.float32),
            jax.ShapeDtypeStruct((N, 1), jnp.float32),
        ],
    )(degpart, x)


def _pass2_body(agg_ref, xs_ref, dis_ref, w1_ref, b1_ref, w2_ref, out_ref):
    d = dis_ref[...]
    d3 = d[None, :, :]
    z3 = (agg_ref[...] + xs_ref[...]) * d3
    z = jnp.concatenate([z3[0], z3[1]], axis=1)
    h1 = jnp.maximum(
        jnp.dot(z, w1_ref[...], preferred_element_type=jnp.float32)
        + b1_ref[...], 0.0)
    h2 = jnp.dot(h1, w2_ref[...], preferred_element_type=jnp.float32)
    xs2 = h2 * d
    out_ref[...] = jnp.transpose(xs2.reshape(_BN, 2, HALF), (1, 0, 2))


def _pass2(agg1, xs1, dis, W1, b1, W2):
    return pl.pallas_call(
        _pass2_body,
        grid=(_GRID,),
        in_specs=[
            pl.BlockSpec((NC, _BN, HALF), lambda i: (0, i, 0)),
            pl.BlockSpec((NC, _BN, HALF), lambda i: (0, i, 0)),
            pl.BlockSpec((_BN, 1), lambda i: (i, 0)),
            pl.BlockSpec((D_IN, D_H), lambda i: (0, 0)),
            pl.BlockSpec((1, D_H), lambda i: (0, 0)),
            pl.BlockSpec((D_H, D_OUT), lambda i: (0, 0)),
        ],
        out_specs=pl.BlockSpec((NC, _BN, HALF), lambda i: (0, i, 0)),
        out_shape=jax.ShapeDtypeStruct((NC, N, HALF), jnp.float32),
    )(agg1, xs1, dis, W1, b1.reshape(1, D_H), W2)


def _pass3_body(agg_ref, xs_ref, dis_ref, b2_ref, batch_ref,
                h_ref, pooled_ref):
    i = pl.program_id(0)
    d = dis_ref[...]
    d3 = d[None, :, :]
    z3 = (agg_ref[...] + xs_ref[...]) * d3
    hblk = jnp.concatenate([z3[0], z3[1]], axis=1) + b2_ref[...]
    h_ref[...] = hblk
    bt = batch_ref[...].reshape(1, _BN)
    mask = (lax.broadcasted_iota(jnp.int32, (N_GRAPHS, _BN), 0) == bt)
    contrib = jnp.dot(mask.astype(jnp.float32), hblk,
                      preferred_element_type=jnp.float32)

    @pl.when(i == 0)
    def _():
        pooled_ref[...] = contrib

    @pl.when(i > 0)
    def _():
        pooled_ref[...] += contrib


def _pass3(agg2, xs2, dis, b2, batch):
    return pl.pallas_call(
        _pass3_body,
        grid=(_GRID,),
        in_specs=[
            pl.BlockSpec((NC, _BN, HALF), lambda i: (0, i, 0)),
            pl.BlockSpec((NC, _BN, HALF), lambda i: (0, i, 0)),
            pl.BlockSpec((_BN, 1), lambda i: (i, 0)),
            pl.BlockSpec((1, D_OUT), lambda i: (0, 0)),
            pl.BlockSpec((_BN, 1), lambda i: (i, 0)),
        ],
        out_specs=[
            pl.BlockSpec((_BN, D_OUT), lambda i: (i, 0)),
            pl.BlockSpec((N_GRAPHS, D_OUT), lambda i: (0, 0)),
        ],
        out_shape=[
            jax.ShapeDtypeStruct((N, D_OUT), jnp.float32),
            jax.ShapeDtypeStruct((N_GRAPHS, D_OUT), jnp.float32),
        ],
    )(agg2, xs2, dis, b2.reshape(1, D_OUT), batch.reshape(N, 1))


def kernel(x, edge_index, edge_weights, batch, W1, b1, W2, b2):
    del edge_weights
    src = edge_index[0]
    dst = edge_index[1]

    zeros_big = jnp.zeros((N, HALF), jnp.float32)
    zeros16 = jnp.zeros((N,), jnp.float32)
    ones_rows = jnp.ones((_DEG_CH,), jnp.float32)

    degpart = _deg_sc(dst, ones_rows, zeros16)
    xs1, dis = _pass1(degpart.reshape(NC, N, 1), x)
    agg1 = _agg_sc(xs1.reshape(NC * N, HALF), src, dst, zeros_big)
    xs2 = _pass2(agg1, xs1, dis, W1, b1, W2)
    agg2 = _agg_sc(xs2.reshape(NC * N, HALF), src, dst, zeros_big)
    h, pooled = _pass3(agg2, xs2, dis, b2, batch)
    return (h, pooled)

# --- scband reference (transcript-rebuilt; emitter-appended) ---
"""Pipeline reference for scband-gcnmodel-23278722745035 (READ-ONLY COPY).

The authoritative reference and input builder live on the scoring server;
editing this copy changes nothing except your own understanding.
"""

import jax, jax.numpy as jnp
import numpy as np

N = 10000
E = 160000
D_IN = 256
D_H = 512
D_OUT = 256
N_GRAPHS = 32


def setup_inputs(seed: int = 0) -> dict:
    key = jax.random.key(seed)
    ks = jax.random.split(key, 8)
    x = jax.random.normal(ks[0], (N, D_IN), dtype=jnp.float32)
    edge_index = jax.random.randint(ks[1], (2, E), 0, N, dtype=jnp.int32)
    edge_weights = jax.random.uniform(ks[2], (E,), dtype=jnp.float32)
    batch = jnp.sort(jax.random.randint(ks[3], (N,), 0, N_GRAPHS, dtype=jnp.int32))
    W1 = jax.random.normal(ks[4], (D_IN, D_H), dtype=jnp.float32) * (1.0 / np.sqrt(D_IN))
    b1 = jnp.zeros((D_H,), dtype=jnp.float32)
    W2 = jax.random.normal(ks[5], (D_H, D_OUT), dtype=jnp.float32) * (1.0 / np.sqrt(D_H))
    b2 = jnp.zeros((D_OUT,), dtype=jnp.float32)
    return {"x": x, "edge_index": edge_index, "edge_weights": edge_weights, "batch": batch,
            "W1": W1, "b1": b1, "W2": W2, "b2": b2}


def _gcn_conv(x, src, dst, W, b, num_nodes):
    # PyG GCNConv: add self-loops, symmetric normalization, linear transform, scatter-add
    loop = jnp.arange(num_nodes, dtype=src.dtype)
    src_sl = jnp.concatenate([src, loop])
    dst_sl = jnp.concatenate([dst, loop])
    deg = jnp.zeros((num_nodes,), dtype=jnp.float32).at[dst_sl].add(1.0)
    deg_inv_sqrt = jnp.where(deg > 0, jax.lax.rsqrt(deg), 0.0)
    norm = deg_inv_sqrt[src_sl] * deg_inv_sqrt[dst_sl]
    h = x @ W
    msgs = h[src_sl] * norm[:, None]
    out = jnp.zeros((num_nodes, W.shape[1]), dtype=jnp.float32).at[dst_sl].add(msgs)
    return out + b


def reference(x, edge_index, edge_weights, batch, W1, b1, W2, b2):
    # Note: edge_weights is unpacked in the original forward but never passed to conv calls.
    src = edge_index[0]
    dst = edge_index[1]
    h = jax.nn.relu(_gcn_conv(x, src, dst, W1, b1, N))
    h = _gcn_conv(h, src, dst, W2, b2, N)
    pooled = jax.ops.segment_sum(h, batch, num_segments=N_GRAPHS)
    return (h, pooled)

if __name__ == "__main__":
    import jax
    _d = setup_inputs()
    print(jax.jit(kernel)(*tuple(_d.values())))

</pallas_src>

<mosaic_0001>
#map = affine_map<(d0, d1) -> (0, 0)>
#map1 = affine_map<(d0, d1) -> (0)>
#map2 = affine_map<(d0, d1) -> (0, 0, 0)>
module attributes {stable_mosaic.version = 14 : i64} {
  func.func @_agg_sc_body(%arg0: i32, %arg1: i32, %arg2: memref<20000x128xf32, #tpu.memory_space<hbm>>, %arg3: memref<160000xi32, #tpu.memory_space<hbm>>, %arg4: memref<160000xi32, #tpu.memory_space<hbm>>, %arg5: memref<10000x128xf32, #tpu.memory_space<hbm>>, %arg6: memref<2x10000x128xf32, #tpu.memory_space<hbm>>, %arg7: memref<80xi32, #tpu.memory_space<vmem>>, %arg8: memref<80xi32, #tpu.memory_space<vmem>>, %arg9: memref<80x128xf32, #tpu.memory_space<vmem>>, %arg10: memref<80xi32, #tpu.memory_space<vmem>>, %arg11: memref<80xi32, #tpu.memory_space<vmem>>, %arg12: memref<80x128xf32, #tpu.memory_space<vmem>>, %arg13: memref<10000x128xf32, #tpu.memory_space<vmem_shared>>, %arg14: memref<!tpu.dma_semaphore, #tpu.memory_space<semaphore_mem>>, %arg15: memref<!tpu.dma_semaphore, #tpu.memory_space<semaphore_mem>>) attributes {dimension_semantics = [#tpu.dimension_semantics<core_parallel>, #tpu.dimension_semantics<subcore_parallel>], iteration_bounds = array<i64: 2, 16>, scalar_prefetch = 0 : i64, scratch_operands = 9 : i64, tpu.core_type = #tpu.core_type<sc_vector_subcore>, window_params = [{transform_indices = #map}, {transform_indices = #map1}, {transform_indices = #map1}, {transform_indices = #map}, {transform_indices = #map2}]} {
    %mul3A = arith.constant 10000 : i32
    %mul3A_0 = arith.muli %arg1, %mul3A : i32
    %mul3A_1 = arith.constant 10000 : i32
    %mul3A_2 = arith.muli %arg0, %mul3A_1 : i32
    %lt3A = arith.constant 15 : i32
    %lt3A_3 = arith.cmpi slt, %arg1, %lt3A : i32
    %convert_element_type3A = arith.extui %lt3A_3 : i1 to i32
    %cond3A = arith.constant 0 : i32
    %cond3A_4 = arith.cmpi ne, %convert_element_type3A, %cond3A : i32
    scf.if %cond3A_4 {
      %mul3A_37 = arith.constant 624 : i32
      %mul3A_38 = arith.muli %arg1, %mul3A_37 : i32
      %multiple_of3A = tpu.assume_multiple %mul3A_38, 8 : i32
      "tpu.region"() ({
        %run_scoped3A = tpu.sem_alloc : memref<!tpu.dma_semaphore, #tpu.memory_space<semaphore_mem>>
        %dma_start3A_39 = arith.constant 0 : i32
        %dma_start3A_40 = tpu.memref_slice %arg13[%multiple_of3A, %dma_start3A_39] : memref<10000x128xf32, #tpu.memory_space<vmem_shared>> -> memref<624x128xf32, #tpu.memory_space<vmem_shared>>
        %dma_start3A_41 = arith.constant 0 : i32
        %dma_start3A_42 = tpu.memref_slice %arg5[%multiple_of3A, %dma_start3A_41] : memref<10000x128xf32, #tpu.memory_space<hbm>> -> memref<624x128xf32, #tpu.memory_space<hbm>>
        tpu.enqueue_dma source(%dma_start3A_42 : memref<624x128xf32, #tpu.memory_space<hbm>>) target(%dma_start3A_40 : memref<624x128xf32, #tpu.memory_space<vmem_shared>>) target_semaphore(%run_scoped3A : memref<!tpu.dma_semaphore, #tpu.memory_space<semaphore_mem>>)
        %dma_wait3A_43 = arith.constant 0 : i32
        %dma_wait3A_44 = tpu.memref_slice %arg13[%multiple_of3A, %dma_wait3A_43] : memref<10000x128xf32, #tpu.memory_space<vmem_shared>> -> memref<624x128xf32, #tpu.memory_space<vmem_shared>>
        %dma_wait3A_45 = arith.constant 0 : i32
        %dma_wait3A_46 = tpu.memref_slice %arg5[%multiple_of3A, %dma_wait3A_45] : memref<10000x128xf32, #tpu.memory_space<hbm>> -> memref<624x128xf32, #tpu.memory_space<hbm>>
        tpu.wait_dma2 semaphore(%run_scoped3A : memref<!tpu.dma_semaphore, #tpu.memory_space<semaphore_mem>>) src(%dma_wait3A_46 : memref<624x128xf32, #tpu.memory_space<hbm>>) dst(%dma_wait3A_44 : memref<624x128xf32, #tpu.memory_space<vmem_shared>>)
        tpu.yield
      }) : () -> ()
    } else {
    }
    %eq3A = arith.constant 15 : i32
    %eq3A_5 = arith.cmpi eq, %arg1, %eq3A : i32
    %convert_element_type3A_6 = arith.extui %eq3A_5 : i1 to i32
    %cond3A_7 = arith.constant 0 : i32
    %cond3A_8 = arith.cmpi ne, %convert_element_type3A_6, %cond3A_7 : i32
    scf.if %cond3A_8 {
      "tpu.region"() ({
        %run_scoped3A = tpu.sem_alloc : memref<!tpu.dma_semaphore, #tpu.memory_space<semaphore_mem>>
        %dma_start3A_37 = arith.constant 9360 : i32
        %dma_start3A_38 = arith.constant 0 : i32
        %dma_start3A_39 = tpu.memref_slice %arg13[%dma_start3A_37, %dma_start3A_38] : memref<10000x128xf32, #tpu.memory_space<vmem_shared>> -> memref<640x128xf32, #tpu.memory_space<vmem_shared>>
        %dma_start3A_40 = arith.constant 9360 : i32
        %dma_start3A_41 = arith.constant 0 : i32
        %dma_start3A_42 = tpu.memref_slice %arg5[%dma_start3A_40, %dma_start3A_41] : memref<10000x128xf32, #tpu.memory_space<hbm>> -> memref<640x128xf32, #tpu.memory_space<hbm>>
        tpu.enqueue_dma source(%dma_start3A_42 : memref<640x128xf32, #tpu.memory_space<hbm>>) target(%dma_start3A_39 : memref<640x128xf32, #tpu.memory_space<vmem_shared>>) target_semaphore(%run_scoped3A : memref<!tpu.dma_semaphore, #tpu.memory_space<semaphore_mem>>)
        %dma_wait3A_43 = arith.constant 9360 : i32
        %dma_wait3A_44 = arith.constant 0 : i32
        %dma_wait3A_45 = tpu.memref_slice %arg13[%dma_wait3A_43, %dma_wait3A_44] : memref<10000x128xf32, #tpu.memory_space<vmem_shared>> -> memref<640x128xf32, #tpu.memory_space<vmem_shared>>
        %dma_wait3A_46 = arith.constant 9360 : i32
        %dma_wait3A_47 = arith.constant 0 : i32
        %dma_wait3A_48 = tpu.memref_slice %arg5[%dma_wait3A_46, %dma_wait3A_47] : memref<10000x128xf32, #tpu.memory_space<hbm>> -> memref<640x128xf32, #tpu.memory_space<hbm>>
        tpu.wait_dma2 semaphore(%run_scoped3A : memref<!tpu.dma_semaphore, #tpu.memory_space<semaphore_mem>>) src(%dma_wait3A_48 : memref<640x128xf32, #tpu.memory_space<hbm>>) dst(%dma_wait3A_45 : memref<640x128xf32, #tpu.memory_space<vmem_shared>>)
        tpu.yield
      }) : () -> ()
    } else {
    }
    %barrier3A = arith.constant 0 : index
    tpu.barrier barrier_id(%barrier3A)
    %add3A = arith.constant 0 : i32
    %add3A_9 = arith.addi %mul3A_0, %add3A : i32
    "tpu.region"() ({
      %run_scoped3A = tpu.sem_alloc : memref<!tpu.dma_semaphore, #tpu.memory_space<semaphore_mem>>
      %dma_start3A_37 = tpu.memref_slice %arg3[%add3A_9] : memref<160000xi32, #tpu.memory_space<hbm>> -> memref<80xi32, #tpu.memory_space<hbm>>
      %dma_start3A_38 = tpu.memref_slice %arg3[%add3A_9] : memref<160000xi32, #tpu.memory_space<hbm>> -> memref<80xi32, #tpu.memory_space<hbm>>
      tpu.enqueue_dma source(%dma_start3A_38 : memref<80xi32, #tpu.memory_space<hbm>>) target(%arg7 : memref<80xi32, #tpu.memory_space<vmem>>) target_semaphore(%run_scoped3A : memref<!tpu.dma_semaphore, #tpu.memory_space<semaphore_mem>>)
      %dma_wait3A_39 = tpu.memref_slice %arg3[%add3A_9] : memref<160000xi32, #tpu.memory_space<hbm>> -> memref<80xi32, #tpu.memory_space<hbm>>
      %dma_wait3A_40 = tpu.memref_slice %arg3[%add3A_9] : memref<160000xi32, #tpu.memory_space<hbm>> -> memref<80xi32, #tpu.memory_space<hbm>>
      tpu.wait_dma2 semaphore(%run_scoped3A : memref<!tpu.dma_semaphore, #tpu.memory_space<semaphore_mem>>) src(%dma_wait3A_40 : memref<80xi32, #tpu.memory_space<hbm>>) dst(%arg7 : memref<80xi32, #tpu.memory_space<vmem>>)
      tpu.yield
    }) : () -> ()
    "tpu.region"() ({
      %run_scoped3A = tpu.sem_alloc : memref<!tpu.dma_semaphore, #tpu.memory_space<semaphore_mem>>
      %dma_start3A_37 = tpu.memref_slice %arg4[%add3A_9] : memref<160000xi32, #tpu.memory_space<hbm>> -> memref<80xi32, #tpu.memory_space<hbm>>
      %dma_start3A_38 = tpu.memref_slice %arg4[%add3A_9] : memref<160000xi32, #tpu.memory_space<hbm>> -> memref<80xi32, #tpu.memory_space<hbm>>
      tpu.enqueue_dma source(%dma_start3A_38 : memref<80xi32, #tpu.memory_space<hbm>>) target(%arg8 : memref<80xi32, #tpu.memory_space<vmem>>) target_semaphore(%run_scoped3A : memref<!tpu.dma_semaphore, #tpu.memory_space<semaphore_mem>>)
      %dma_wait3A_39 = tpu.memref_slice %arg4[%add3A_9] : memref<160000xi32, #tpu.memory_space<hbm>> -> memref<80xi32, #tpu.memory_space<hbm>>
      %dma_wait3A_40 = tpu.memref_slice %arg4[%add3A_9] : memref<160000xi32, #tpu.memory_space<hbm>> -> memref<80xi32, #tpu.memory_space<hbm>>
      tpu.wait_dma2 semaphore(%run_scoped3A : memref<!tpu.dma_semaphore, #tpu.memory_space<semaphore_mem>>) src(%dma_wait3A_40 : memref<80xi32, #tpu.memory_space<hbm>>) dst(%arg8 : memref<80xi32, #tpu.memory_space<vmem>>)
      tpu.yield
    }) : () -> ()
    %scan3A = arith.constant 0 : i32
    %scan3A_10 = arith.constant 5 : i32
    %scan3A_11 = arith.addi %scan3A, %scan3A_10 : i32
    %scan3A_12 = arith.constant 1 : i32
    scf.for %scan3A_37 = %scan3A to %scan3A_11 step %scan3A_12  : i32 {
      %mul3A_38 = arith.constant 16 : i32
      %mul3A_39 = arith.muli %scan3A_37, %mul3A_38 : i32
      %add3A_40 = arith.constant 0 : i32
      %add3A_41 = arith.addi %add3A_40, %mul3A_39 : i32
      %get3A = arith.index_cast %add3A_41 : i32 to index
      %get3A_42 = tpu.vector_load %arg7[%get3A] {strides = array<i32>} : memref<80xi32, #tpu.memory_space<vmem>>, vector<16xi32>,
      %get3A_43 = vector.shape_cast %get3A_42 : vector<16xi32> to vector<16xi32>
      %add3A_44 = vector.broadcast %mul3A_2 : i32 to vector<16xi32>
      %add3A_45 = arith.addi %get3A_43, %add3A_44 : vector<16xi32>
      %swap3A = arith.index_cast %add3A_41 : i32 to index
      %swap3A_46 = tpu.vector_load %arg7[%swap3A] {strides = array<i32>} : memref<80xi32, #tpu.memory_space<vmem>>, vector<16xi32>,
      %swap3A_47 = vector.shape_cast %swap3A_46 : vector<16xi32> to vector<16xi32>
      %swap3A_48 = vector.shape_cast %add3A_45 : vector<16xi32> to vector<16xi32>
      tpu.vector_store %arg7[%swap3A], %swap3A_48 {strides = array<i32>} : memref<80xi32, #tpu.memory_space<vmem>>, vector<16xi32>,
    }
    %scan3A_13 = arith.constant 5 : i32
    %dma_start3A = arith.constant 0 : i32
    %dma_start3A_14 = arith.constant 0 : i32
    %dma_start3A_15 = tpu.memref_slice %arg2[%dma_start3A, %dma_start3A_14] : memref<20000x128xf32, #tpu.memory_space<hbm>> -> memref<20000x128xf32, #tpu.memory_space<hbm>>
    tpu.enqueue_indirect_dma source(%dma_start3A_15 : memref<20000x128xf32, #tpu.memory_space<hbm>>) target(%arg9 : memref<80x128xf32, #tpu.memory_space<vmem>>) offsets(%arg7 : memref<80xi32, #tpu.memory_space<vmem>>) semaphore(%arg14 : memref<!tpu.dma_semaphore, #tpu.memory_space<semaphore_mem>>)
    %scan3A_16 = arith.constant 0 : i32
    %scan3A_17 = arith.constant 62 : i32
    %scan3A_18 = arith.addi %scan3A_16, %scan3A_17 : i32
    %scan3A_19 = arith.constant 1 : i32
    scf.for %scan3A_37 = %scan3A_16 to %scan3A_18 step %scan3A_19  : i32 {
      %mul3A_38 = arith.constant 1 : i32
      %mul3A_39 = arith.muli %scan3A_37, %mul3A_38 : i32
      %add3A_40 = arith.constant 0 : i32
      %add3A_41 = arith.addi %add3A_40, %mul3A_39 : i32
      %mul3A_42 = arith.constant 2 : i32
      %mul3A_43 = arith.muli %mul3A_42, %add3A_41 : i32
      %add3A_44 = arith.constant 1 : i32
      %add3A_45 = arith.addi %mul3A_43, %add3A_44 : i32
      %mul3A_46 = arith.constant 80 : i32
      %mul3A_47 = arith.muli %add3A_45, %mul3A_46 : i32
      %add3A_48 = arith.addi %mul3A_0, %mul3A_47 : i32
      "tpu.region"() ({
        %run_scoped3A = tpu.sem_alloc : memref<!tpu.dma_semaphore, #tpu.memory_space<semaphore_mem>>
        %dma_start3A_84 = tpu.memref_slice %arg3[%add3A_48] : memref<160000xi32, #tpu.memory_space<hbm>> -> memref<80xi32, #tpu.memory_space<hbm>>
        %dma_start3A_85 = tpu.memref_slice %arg3[%add3A_48] : memref<160000xi32, #tpu.memory_space<hbm>> -> memref<80xi32, #tpu.memory_space<hbm>>
        tpu.enqueue_dma source(%dma_start3A_85 : memref<80xi32, #tpu.memory_space<hbm>>) target(%arg10 : memref<80xi32, #tpu.memory_space<vmem>>) target_semaphore(%run_scoped3A : memref<!tpu.dma_semaphore, #tpu.memory_space<semaphore_mem>>)
        %dma_wait3A_86 = tpu.memref_slice %arg3[%add3A_48] : memref<160000xi32, #tpu.memory_space<hbm>> -> memref<80xi32, #tpu.memory_space<hbm>>
        %dma_wait3A_87 = tpu.memref_slice %arg3[%add3A_48] : memref<160000xi32, #tpu.memory_space<hbm>> -> memref<80xi32, #tpu.memory_space<hbm>>
        tpu.wait_dma2 semaphore(%run_scoped3A : memref<!tpu.dma_semaphore, #tpu.memory_space<semaphore_mem>>) src(%dma_wait3A_87 : memref<80xi32, #tpu.memory_space<hbm>>) dst(%arg10 : memref<80xi32, #tpu.memory_space<vmem>>)
        tpu.yield
      }) : () -> ()
      "tpu.region"() ({
        %run_scoped3A = tpu.sem_alloc : memref<!tpu.dma_semaphore, #tpu.memory_space<semaphore_mem>>
        %dma_start3A_84 = tpu.memref_slice %arg4[%add3A_48] : memref<160000xi32, #tpu.memory_space<hbm>> -> memref<80xi32, #tpu.memory_space<hbm>>
        %dma_start3A_85 = tpu.memref_slice %arg4[%add3A_48] : memref<160000xi32, #tpu.memory_space<hbm>> -> memref<80xi32, #tpu.memory_space<hbm>>
        tpu.enqueue_dma source(%dma_start3A_85 : memref<80xi32, #tpu.memory_space<hbm>>) target(%arg11 : memref<80xi32, #tpu.memory_space<vmem>>) target_semaphore(%run_scoped3A : memref<!tpu.dma_semaphore, #tpu.memory_space<semaphore_mem>>)
        %dma_wait3A_86 = tpu.memref_slice %arg4[%add3A_48] : memref<160000xi32, #tpu.memory_space<hbm>> -> memref<80xi32, #tpu.memory_space<hbm>>
        %dma_wait3A_87 = tpu.memref_slice %arg4[%add3A_48] : memref<160000xi32, #tpu.memory_space<hbm>> -> memref<80xi32, #tpu.memory_space<hbm>>
        tpu.wait_dma2 semaphore(%run_scoped3A : memref<!tpu.dma_semaphore, #tpu.memory_space<semaphore_mem>>) src(%dma_wait3A_87 : memref<80xi32, #tpu.memory_space<hbm>>) dst(%arg11 : memref<80xi32, #tpu.memory_space<vmem>>)
        tpu.yield
      }) : () -> ()
      %scan3A_49 = arith.constant 0 : i32
      %scan3A_50 = arith.constant 5 : i32
      %scan3A_51 = arith.addi %scan3A_49, %scan3A_50 : i32
      %scan3A_52 = arith.constant 1 : i32
      scf.for %scan3A_84 = %scan3A_49 to %scan3A_51 step %scan3A_52  : i32 {
        %mul3A_85 = arith.constant 16 : i32
        %mul3A_86 = arith.muli %scan3A_84, %mul3A_85 : i32
        %add3A_87 = arith.constant 0 : i32
        %add3A_88 = arith.addi %add3A_87, %mul3A_86 : i32
        %get3A = arith.index_cast %add3A_88 : i32 to index
        %get3A_89 = tpu.vector_load %arg10[%get3A] {strides = array<i32>} : memref<80xi32, #tpu.memory_space<vmem>>, vector<16xi32>,
        %get3A_90 = vector.shape_cast %get3A_89 : vector<16xi32> to vector<16xi32>
        %add3A_91 = vector.broadcast %mul3A_2 : i32 to vector<16xi32>
        %add3A_92 = arith.addi %get3A_90, %add3A_91 : vector<16xi32>
        %swap3A = arith.index_cast %add3A_88 : i32 to index
        %swap3A_93 = tpu.vector_load %arg10[%swap3A] {strides = array<i32>} : memref<80xi32, #tpu.memory_space<vmem>>, vector<16xi32>,
        %swap3A_94 = vector.shape_cast %swap3A_93 : vector<16xi32> to vector<16xi32>
        %swap3A_95 = vector.shape_cast %add3A_92 : vector<16xi32> to vector<16xi32>
        tpu.vector_store %arg10[%swap3A], %swap3A_95 {strides = array<i32>} : memref<80xi32, #tpu.memory_space<vmem>>, vector<16xi32>,
      }
      %scan3A_53 = arith.constant 5 : i32
      %dma_start3A_54 = arith.constant 0 : i32
      %dma_start3A_55 = arith.constant 0 : i32
      %dma_start3A_56 = tpu.memref_slice %arg2[%dma_start3A_54, %dma_start3A_55] : memref<20000x128xf32, #tpu.memory_space<hbm>> -> memref<20000x128xf32, #tpu.memory_space<hbm>>
      tpu.enqueue_indirect_dma source(%dma_start3A_56 : memref<20000x128xf32, #tpu.memory_space<hbm>>) target(%arg12 : memref<80x128xf32, #tpu.memory_space<vmem>>) offsets(%arg10 : memref<80xi32, #tpu.memory_space<vmem>>) semaphore(%arg15 : memref<!tpu.dma_semaphore, #tpu.memory_space<semaphore_mem>>)
      %dma_wait3A_57 = arith.constant 0 : i32
      %dma_wait3A_58 = arith.constant 0 : i32
      %dma_wait3A_59 = tpu.memref_slice %arg2[%dma_wait3A_57, %dma_wait3A_58] : memref<20000x128xf32, #tpu.memory_space<hbm>> -> memref<80x128xf32, #tpu.memory_space<hbm>>
      %dma_wait3A_60 = arith.constant 0 : i32
      %dma_wait3A_61 = arith.constant 0 : i32
      %dma_wait3A_62 = tpu.memref_slice %arg2[%dma_wait3A_60, %dma_wait3A_61] : memref<20000x128xf32, #tpu.memory_space<hbm>> -> memref<80x128xf32, #tpu.memory_space<hbm>>
      tpu.wait_dma2 semaphore(%arg14 : memref<!tpu.dma_semaphore, #tpu.memory_space<semaphore_mem>>) src(%dma_wait3A_62 : memref<80x128xf32, #tpu.memory_space<hbm>>) dst(%arg9 : memref<80x128xf32, #tpu.memory_space<vmem>>)
      "tpu.region"() ({
        %run_scoped3A = tpu.sem_alloc : memref<!tpu.dma_semaphore, #tpu.memory_space<semaphore_mem>>
        %dma_start3A_84 = arith.constant 0 : i32
        %dma_start3A_85 = arith.constant 0 : i32
        %dma_start3A_86 = tpu.memref_slice %arg13[%dma_start3A_84, %dma_start3A_85] : memref<10000x128xf32, #tpu.memory_space<vmem_shared>> -> memref<10000x128xf32, #tpu.memory_space<vmem_shared>>
        tpu.enqueue_indirect_dma source(%arg9 : memref<80x128xf32, #tpu.memory_space<vmem>>) target(%dma_start3A_86 : memref<10000x128xf32, #tpu.memory_space<vmem_shared>>) offsets(%arg8 : memref<80xi32, #tpu.memory_space<vmem>>) semaphore(%run_scoped3A : memref<!tpu.dma_semaphore, #tpu.memory_space<semaphore_mem>>) {add = true}
        %dma_wait3A_87 = arith.constant 0 : i32
        %dma_wait3A_88 = arith.constant 0 : i32
        %dma_wait3A_89 = tpu.memref_slice %arg13[%dma_wait3A_87, %dma_wait3A_88] : memref<10000x128xf32, #tpu.memory_space<vmem_shared>> -> memref<10000x128xf32, #tpu.memory_space<vmem_shared>>
        tpu.wait_indirect_dma semaphore(%run_scoped3A : memref<!tpu.dma_semaphore, #tpu.memory_space<semaphore_mem>>) src(%arg9 : memref<80x128xf32, #tpu.memory_space<vmem>>) dst(%dma_wait3A_89 : memref<10000x128xf32, #tpu.memory_space<vmem_shared>>)
        tpu.yield
      }) : () -> ()
      %mul3A_63 = arith.constant 2 : i32
      %mul3A_64 = arith.muli %mul3A_63, %add3A_41 : i32
      %add3A_65 = arith.constant 2 : i32
      %add3A_66 = arith.addi %mul3A_64, %add3A_65 : i32
      %mul3A_67 = arith.constant 80 : i32
      %mul3A_68 = arith.muli %add3A_66, %mul3A_67 : i32
      %add3A_69 = arith.addi %mul3A_0, %mul3A_68 : i32
      "tpu.region"() ({
        %run_scoped3A = tpu.sem_alloc : memref<!tpu.dma_semaphore, #tpu.memory_space<semaphore_mem>>
        %dma_start3A_84 = tpu.memref_slice %arg3[%add3A_69] : memref<160000xi32, #tpu.memory_space<hbm>> -> memref<80xi32, #tpu.memory_space<hbm>>
        %dma_start3A_85 = tpu.memref_slice %arg3[%add3A_69] : memref<160000xi32, #tpu.memory_space<hbm>> -> memref<80xi32, #tpu.memory_space<hbm>>
        tpu.enqueue_dma source(%dma_start3A_85 : memref<80xi32, #tpu.memory_space<hbm>>) target(%arg7 : memref<80xi32, #tpu.memory_space<vmem>>) target_semaphore(%run_scoped3A : memref<!tpu.dma_semaphore, #tpu.memory_space<semaphore_mem>>)
        %dma_wait3A_86 = tpu.memref_slice %arg3[%add3A_69] : memref<160000xi32, #tpu.memory_space<hbm>> -> memref<80xi32, #tpu.memory_space<hbm>>
        %dma_wait3A_87 = tpu.memref_slice %arg3[%add3A_69] : memref<160000xi32, #tpu.memory_space<hbm>> -> memref<80xi32, #tpu.memory_space<hbm>>
        tpu.wait_dma2 semaphore(%run_scoped3A : memref<!tpu.dma_semaphore, #tpu.memory_space<semaphore_mem>>) src(%dma_wait3A_87 : memref<80xi32, #tpu.memory_space<hbm>>) dst(%arg7 : memref<80xi32, #tpu.memory_space<vmem>>)
        tpu.yield
      }) : () -> ()
      "tpu.region"() ({
        %run_scoped3A = tpu.sem_alloc : memref<!tpu.dma_semaphore, #tpu.memory_space<semaphore_mem>>
        %dma_start3A_84 = tpu.memref_slice %arg4[%add3A_69] : memref<160000xi32, #tpu.memory_space<hbm>> -> memref<80xi32, #tpu.memory_space<hbm>>
        %dma_start3A_85 = tpu.memref_slice %arg4[%add3A_69] : memref<160000xi32, #tpu.memory_space<hbm>> -> memref<80xi32, #tpu.memory_space<hbm>>
        tpu.enqueue_dma source(%dma_start3A_85 : memref<80xi32, #tpu.memory_space<hbm>>) target(%arg8 : memref<80xi32, #tpu.memory_space<vmem>>) target_semaphore(%run_scoped3A : memref<!tpu.dma_semaphore, #tpu.memory_space<semaphore_mem>>)
        %dma_wait3A_86 = tpu.memref_slice %arg4[%add3A_69] : memref<160000xi32, #tpu.memory_space<hbm>> -> memref<80xi32, #tpu.memory_space<hbm>>
        %dma_wait3A_87 = tpu.memref_slice %arg4[%add3A_69] : memref<160000xi32, #tpu.memory_space<hbm>> -> memref<80xi32, #tpu.memory_space<hbm>>
        tpu.wait_dma2 semaphore(%run_scoped3A : memref<!tpu.dma_semaphore, #tpu.memory_space<semaphore_mem>>) src(%dma_wait3A_87 : memref<80xi32, #tpu.memory_space<hbm>>) dst(%arg8 : memref<80xi32, #tpu.memory_space<vmem>>)
        tpu.yield
      }) : () -> ()
      %scan3A_70 = arith.constant 0 : i32
      %scan3A_71 = arith.constant 5 : i32
      %scan3A_72 = arith.addi %scan3A_70, %scan3A_71 : i32
      %scan3A_73 = arith.constant 1 : i32
      scf.for %scan3A_84 = %scan3A_70 to %scan3A_72 step %scan3A_73  : i32 {
        %mul3A_85 = arith.constant 16 : i32
        %mul3A_86 = arith.muli %scan3A_84, %mul3A_85 : i32
        %add3A_87 = arith.constant 0 : i32
        %add3A_88 = arith.addi %add3A_87, %mul3A_86 : i32
        %get3A = arith.index_cast %add3A_88 : i32 to index
        %get3A_89 = tpu.vector_load %arg7[%get3A] {strides = array<i32>} : memref<80xi32, #tpu.memory_space<vmem>>, vector<16xi32>,
        %get3A_90 = vector.shape_cast %get3A_89 : vector<16xi32> to vector<16xi32>
        %add3A_91 = vector.broadcast %mul3A_2 : i32 to vector<16xi32>
        %add3A_92 = arith.addi %get3A_90, %add3A_91 : vector<16xi32>
        %swap3A = arith.index_cast %add3A_88 : i32 to index
        %swap3A_93 = tpu.vector_load %arg7[%swap3A] {strides = array<i32>} : memref<80xi32, #tpu.memory_space<vmem>>, vector<16xi32>,
        %swap3A_94 = vector.shape_cast %swap3A_93 : vector<16xi32> to vector<16xi32>
        %swap3A_95 = vector.shape_cast %add3A_92 : vector<16xi32> to vector<16xi32>
        tpu.vector_store %arg7[%swap3A], %swap3A_95 {strides = array<i32>} : memref<80xi32, #tpu.memory_space<vmem>>, vector<16xi32>,
      }
      %scan3A_74 = arith.constant 5 : i32
      %dma_start3A_75 = arith.constant 0 : i32
      %dma_start3A_76 = arith.constant 0 : i32
      %dma_start3A_77 = tpu.memref_slice %arg2[%dma_start3A_75, %dma_start3A_76] : memref<20000x128xf32, #tpu.memory_space<hbm>> -> memref<20000x128xf32, #tpu.memory_space<hbm>>
      tpu.enqueue_indirect_dma source(%dma_start3A_77 : memref<20000x128xf32, #tpu.memory_space<hbm>>) target(%arg9 : memref<80x128xf32, #tpu.memory_space<vmem>>) offsets(%arg7 : memref<80xi32, #tpu.memory_space<vmem>>) semaphore(%arg14 : memref<!tpu.dma_semaphore, #tpu.memory_space<semaphore_mem>>)
      %dma_wait3A_78 = arith.constant 0 : i32
      %dma_wait3A_79 = arith.constant 0 : i32
      %dma_wait3A_80 = tpu.memref_slice %arg2[%dma_wait3A_78, %dma_wait3A_79] : memref<20000x128xf32, #tpu.memory_space<hbm>> -> memref<80x128xf32, #tpu.memory_space<hbm>>
      %dma_wait3A_81 = arith.constant 0 : i32
      %dma_wait3A_82 = arith.constant 0 : i32
      %dma_wait3A_83 = tpu.memref_slice %arg2[%dma_wait3A_81, %dma_wait3A_82] : memref<20000x128xf32, #tpu.memory_space<hbm>> -> memref<80x128xf32, #tpu.memory_space<hbm>>
      tpu.wait_dma2 semaphore(%arg15 : memref<!tpu.dma_semaphore, #tpu.memory_space<semaphore_mem>>) src(%dma_wait3A_83 : memref<80x128xf32, #tpu.memory_space<hbm>>) dst(%arg12 : memref<80x128xf32, #tpu.memory_space<vmem>>)
      "tpu.region"() ({
        %run_scoped3A = tpu.sem_alloc : memref<!tpu.dma_semaphore, #tpu.memory_space<semaphore_mem>>
        %dma_start3A_84 = arith.constant 0 : i32
        %dma_start3A_85 = arith.constant 0 : i32
        %dma_start3A_86 = tpu.memref_slice %arg13[%dma_start3A_84, %dma_start3A_85] : memref<10000x128xf32, #tpu.memory_space<vmem_shared>> -> memref<10000x128xf32, #tpu.memory_space<vmem_shared>>
        tpu.enqueue_indirect_dma source(%arg12 : memref<80x128xf32, #tpu.memory_space<vmem>>) target(%dma_start3A_86 : memref<10000x128xf32, #tpu.memory_space<vmem_shared>>) offsets(%arg11 : memref<80xi32, #tpu.memory_space<vmem>>) semaphore(%run_scoped3A : memref<!tpu.dma_semaphore, #tpu.memory_space<semaphore_mem>>) {add = true}
        %dma_wait3A_87 = arith.constant 0 : i32
        %dma_wait3A_88 = arith.constant 0 : i32
        %dma_wait3A_89 = tpu.memref_slice %arg13[%dma_wait3A_87, %dma_wait3A_88] : memref<10000x128xf32, #tpu.memory_space<vmem_shared>> -> memref<10000x128xf32, #tpu.memory_space<vmem_shared>>
        tpu.wait_indirect_dma semaphore(%run_scoped3A : memref<!tpu.dma_semaphore, #tpu.memory_space<semaphore_mem>>) src(%arg12 : memref<80x128xf32, #tpu.memory_space<vmem>>) dst(%dma_wait3A_89 : memref<10000x128xf32, #tpu.memory_space<vmem_shared>>)
        tpu.yield
      }) : () -> ()
    }
    %scan3A_20 = arith.constant 62 : i32
    %dma_wait3A = arith.constant 0 : i32
    %dma_wait3A_21 = arith.constant 0 : i32
    %dma_wait3A_22 = tpu.memref_slice %arg2[%dma_wait3A, %dma_wait3A_21] : memref<20000x128xf32, #tpu.memory_space<hbm>> -> memref<80x128xf32, #tpu.memory_space<hbm>>
    %dma_wait3A_23 = arith.constant 0 : i32
    %dma_wait3A_24 = arith.constant 0 : i32
    %dma_wait3A_25 = tpu.memref_slice %arg2[%dma_wait3A_23, %dma_wait3A_24] : memref<20000x128xf32, #tpu.memory_space<hbm>> -> memref<80x128xf32, #tpu.memory_space<hbm>>
    tpu.wait_dma2 semaphore(%arg14 : memref<!tpu.dma_semaphore, #tpu.memory_space<semaphore_mem>>) src(%dma_wait3A_25 : memref<80x128xf32, #tpu.memory_space<hbm>>) dst(%arg9 : memref<80x128xf32, #tpu.memory_space<vmem>>)
    "tpu.region"() ({
      %run_scoped3A = tpu.sem_alloc : memref<!tpu.dma_semaphore, #tpu.memory_space<semaphore_mem>>
      %dma_start3A_37 = arith.constant 0 : i32
      %dma_start3A_38 = arith.constant 0 : i32
      %dma_start3A_39 = tpu.memref_slice %arg13[%dma_start3A_37, %dma_start3A_38] : memref<10000x128xf32, #tpu.memory_space<vmem_shared>> -> memref<10000x128xf32, #tpu.memory_space<vmem_shared>>
      tpu.enqueue_indirect_dma source(%arg9 : memref<80x128xf32, #tpu.memory_space<vmem>>) target(%dma_start3A_39 : memref<10000x128xf32, #tpu.memory_space<vmem_shared>>) offsets(%arg8 : memref<80xi32, #tpu.memory_space<vmem>>) semaphore(%run_scoped3A : memref<!tpu.dma_semaphore, #tpu.memory_space<semaphore_mem>>) {add = true}
      %dma_wait3A_40 = arith.constant 0 : i32
      %dma_wait3A_41 = arith.constant 0 : i32
      %dma_wait3A_42 = tpu.memref_slice %arg13[%dma_wait3A_40, %dma_wait3A_41] : memref<10000x128xf32, #tpu.memory_space<vmem_shared>> -> memref<10000x128xf32, #tpu.memory_space<vmem_shared>>
      tpu.wait_indirect_dma semaphore(%run_scoped3A : memref<!tpu.dma_semaphore, #tpu.memory_space<semaphore_mem>>) src(%arg9 : memref<80x128xf32, #tpu.memory_space<vmem>>) dst(%dma_wait3A_42 : memref<10000x128xf32, #tpu.memory_space<vmem_shared>>)
      tpu.yield
    }) : () -> ()
    %barrier3A_26 = arith.constant 0 : index
    tpu.barrier barrier_id(%barrier3A_26)
    %lt3A_27 = arith.constant 15 : i32
    %lt3A_28 = arith.cmpi slt, %arg1, %lt3A_27 : i32
    %convert_element_type3A_29 = arith.extui %lt3A_28 : i1 to i32
    %cond3A_30 = arith.constant 0 : i32
    %cond3A_31 = arith.cmpi ne, %convert_element_type3A_29, %cond3A_30 : i32
    scf.if %cond3A_31 {
      %mul3A_37 = arith.constant 624 : i32
      %mul3A_38 = arith.muli %arg1, %mul3A_37 : i32
      %multiple_of3A = tpu.assume_multiple %mul3A_38, 8 : i32
      "tpu.region"() ({
        %run_scoped3A = tpu.sem_alloc : memref<!tpu.dma_semaphore, #tpu.memory_space<semaphore_mem>>
        %dma_start3A_39 = arith.constant 0 : i32
        %dma_start3A_40 = arith.constant 0 : i32
        %dma_start3A_41 = tpu.memref_slice %arg6[%arg0, %dma_start3A_39, %dma_start3A_40] : memref<2x10000x128xf32, #tpu.memory_space<hbm>> -> memref<1x10000x128xf32, #tpu.memory_space<hbm>>
        %dma_start3A_42 = tpu.memref_squeeze %dma_start3A_41 : memref<1x10000x128xf32, #tpu.memory_space<hbm>> -> memref<10000x128xf32, #tpu.memory_space<hbm>>
        %dma_start3A_43 = arith.constant 0 : i32
        %dma_start3A_44 = tpu.memref_slice %dma_start3A_42[%multiple_of3A, %dma_start3A_43] : memref<10000x128xf32, #tpu.memory_space<hbm>> -> memref<624x128xf32, #tpu.memory_space<hbm>>
        %dma_start3A_45 = arith.constant 0 : i32
        %dma_start3A_46 = tpu.memref_slice %arg13[%multiple_of3A, %dma_start3A_45] : memref<10000x128xf32, #tpu.memory_space<vmem_shared>> -> memref<624x128xf32, #tpu.memory_space<vmem_shared>>
        tpu.enqueue_dma source(%dma_start3A_46 : memref<624x128xf32, #tpu.memory_space<vmem_shared>>) target(%dma_start3A_44 : memref<624x128xf32, #tpu.memory_space<hbm>>) target_semaphore(%run_scoped3A : memref<!tpu.dma_semaphore, #tpu.memory_space<semaphore_mem>>)
        %dma_wait3A_47 = arith.constant 0 : i32
        %dma_wait3A_48 = arith.constant 0 : i32
        %dma_wait3A_49 = tpu.memref_slice %arg6[%arg0, %dma_wait3A_47, %dma_wait3A_48] : memref<2x10000x128xf32, #tpu.memory_space<hbm>> -> memref<1x10000x128xf32, #tpu.memory_space<hbm>>
        %dma_wait3A_50 = tpu.memref_squeeze %dma_wait3A_49 : memref<1x10000x128xf32, #tpu.memory_space<hbm>> -> memref<10000x128xf32, #tpu.memory_space<hbm>>
        %dma_wait3A_51 = arith.constant 0 : i32
        %dma_wait3A_52 = tpu.memref_slice %dma_wait3A_50[%multiple_of3A, %dma_wait3A_51] : memref<10000x128xf32, #tpu.memory_space<hbm>> -> memref<624x128xf32, #tpu.memory_space<hbm>>
        %dma_wait3A_53 = arith.constant 0 : i32
        %dma_wait3A_54 = tpu.memref_slice %arg13[%multiple_of3A, %dma_wait3A_53] : memref<10000x128xf32, #tpu.memory_space<vmem_shared>> -> memref<624x128xf32, #tpu.memory_space<vmem_shared>>
        tpu.wait_dma2 semaphore(%run_scoped3A : memref<!tpu.dma_semaphore, #tpu.memory_space<semaphore_mem>>) src(%dma_wait3A_54 : memref<624x128xf32, #tpu.memory_space<vmem_shared>>) dst(%dma_wait3A_52 : memref<624x128xf32, #tpu.memory_space<hbm>>)
        tpu.yield
      }) : () -> ()
    } else {
    }
    %eq3A_32 = arith.constant 15 : i32
    %eq3A_33 = arith.cmpi eq, %arg1, %eq3A_32 : i32
    %convert_element_type3A_34 = arith.extui %eq3A_33 : i1 to i32
    %cond3A_35 = arith.constant 0 : i32
    %cond3A_36 = arith.cmpi ne, %convert_element_type3A_34, %cond3A_35 : i32
    scf.if %cond3A_36 {
      "tpu.region"() ({
        %run_scoped3A = tpu.sem_alloc : memref<!tpu.dma_semaphore, #tpu.memory_space<semaphore_mem>>
        %dma_start3A_37 = arith.constant 0 : i32
        %dma_start3A_38 = arith.constant 0 : i32
        %dma_start3A_39 = tpu.memref_slice %arg6[%arg0, %dma_start3A_37, %dma_start3A_38] : memref<2x10000x128xf32, #tpu.memory_space<hbm>> -> memref<1x10000x128xf32, #tpu.memory_space<hbm>>
        %dma_start3A_40 = tpu.memref_squeeze %dma_start3A_39 : memref<1x10000x128xf32, #tpu.memory_space<hbm>> -> memref<10000x128xf32, #tpu.memory_space<hbm>>
        %dma_start3A_41 = arith.constant 9360 : i32
        %dma_start3A_42 = arith.constant 0 : i32
        %dma_start3A_43 = tpu.memref_slice %dma_start3A_40[%dma_start3A_41, %dma_start3A_42] : memref<10000x128xf32, #tpu.memory_space<hbm>> -> memref<640x128xf32, #tpu.memory_space<hbm>>
        %dma_start3A_44 = arith.constant 9360 : i32
        %dma_start3A_45 = arith.constant 0 : i32
        %dma_start3A_46 = tpu.memref_slice %arg13[%dma_start3A_44, %dma_start3A_45] : memref<10000x128xf32, #tpu.memory_space<vmem_shared>> -> memref<640x128xf32, #tpu.memory_space<vmem_shared>>
        tpu.enqueue_dma source(%dma_start3A_46 : memref<640x128xf32, #tpu.memory_space<vmem_shared>>) target(%dma_start3A_43 : memref<640x128xf32, #tpu.memory_space<hbm>>) target_semaphore(%run_scoped3A : memref<!tpu.dma_semaphore, #tpu.memory_space<semaphore_mem>>)
        %dma_wait3A_47 = arith.constant 0 : i32
        %dma_wait3A_48 = arith.constant 0 : i32
        %dma_wait3A_49 = tpu.memref_slice %arg6[%arg0, %dma_wait3A_47, %dma_wait3A_48] : memref<2x10000x128xf32, #tpu.memory_space<hbm>> -> memref<1x10000x128xf32, #tpu.memory_space<hbm>>
        %dma_wait3A_50 = tpu.memref_squeeze %dma_wait3A_49 : memref<1x10000x128xf32, #tpu.memory_space<hbm>> -> memref<10000x128xf32, #tpu.memory_space<hbm>>
        %dma_wait3A_51 = arith.constant 9360 : i32
        %dma_wait3A_52 = arith.constant 0 : i32
        %dma_wait3A_53 = tpu.memref_slice %dma_wait3A_50[%dma_wait3A_51, %dma_wait3A_52] : memref<10000x128xf32, #tpu.memory_space<hbm>> -> memref<640x128xf32, #tpu.memory_space<hbm>>
        %dma_wait3A_54 = arith.constant 9360 : i32
        %dma_wait3A_55 = arith.constant 0 : i32
        %dma_wait3A_56 = tpu.memref_slice %arg13[%dma_wait3A_54, %dma_wait3A_55] : memref<10000x128xf32, #tpu.memory_space<vmem_shared>> -> memref<640x128xf32, #tpu.memory_space<vmem_shared>>
        tpu.wait_dma2 semaphore(%run_scoped3A : memref<!tpu.dma_semaphore, #tpu.memory_space<semaphore_mem>>) src(%dma_wait3A_56 : memref<640x128xf32, #tpu.memory_space<vmem_shared>>) dst(%dma_wait3A_53 : memref<640x128xf32, #tpu.memory_space<hbm>>)
        tpu.yield
      }) : () -> ()
    } else {
    }
    return
  }
}

#map = affine_map<(d0, d1) -> (0)>
#map1 = affine_map<(d0, d1) -> (0, 0)>
module attributes {stable_mosaic.version = 14 : i64} {
  func.func @_deg_sc_body(%arg0: i32, %arg1: i32, %arg2: memref<160000xi32, #tpu.memory_space<hbm>>, %arg3: memref<1000xf32, #tpu.memory_space<hbm>>, %arg4: memref<10000xf32, #tpu.memory_space<hbm>>, %arg5: memref<2x10000xf32, #tpu.memory_space<hbm>>, %arg6: memref<1000xi32, #tpu.memory_space<vmem>>, %arg7: memref<1000xf32, #tpu.memory_space<vmem>>, %arg8: memref<10000xf32, #tpu.memory_space<vmem_shared>>) attributes {dimension_semantics = [#tpu.dimension_semantics<core_parallel>, #tpu.dimension_semantics<subcore_parallel>], iteration_bounds = array<i64: 2, 16>, scalar_prefetch = 0 : i64, scratch_operands = 3 : i64, tpu.core_type = #tpu.core_type<sc_vector_subcore>, window_params = [{transform_indices = #map}, {transform_indices = #map}, {transform_indices = #map}, {transform_indices = #map1}]} {
    %mul3A = arith.constant 16 : i32
    %mul3A_0 = arith.muli %arg0, %mul3A : i32
    %add3A = arith.addi %mul3A_0, %arg1 : i32
    %eq3A = arith.constant 0 : i32
    %eq3A_1 = arith.cmpi eq, %arg1, %eq3A : i32
    %convert_element_type3A = arith.extui %eq3A_1 : i1 to i32
    %cond3A = arith.constant 0 : i32
    %cond3A_2 = arith.cmpi ne, %convert_element_type3A, %cond3A : i32
    scf.if %cond3A_2 {
      "tpu.region"() ({
        %run_scoped3A = tpu.sem_alloc : memref<!tpu.dma_semaphore, #tpu.memory_space<semaphore_mem>>
        tpu.enqueue_dma source(%arg4 : memref<10000xf32, #tpu.memory_space<hbm>>) target(%arg8 : memref<10000xf32, #tpu.memory_space<vmem_shared>>) target_semaphore(%run_scoped3A : memref<!tpu.dma_semaphore, #tpu.memory_space<semaphore_mem>>)
        tpu.wait_dma2 semaphore(%run_scoped3A : memref<!tpu.dma_semaphore, #tpu.memory_space<semaphore_mem>>) src(%arg4 : memref<10000xf32, #tpu.memory_space<hbm>>) dst(%arg8 : memref<10000xf32, #tpu.memory_space<vmem_shared>>)
        tpu.yield
      }) : () -> ()
    } else {
    }
    "tpu.region"() ({
      %run_scoped3A = tpu.sem_alloc : memref<!tpu.dma_semaphore, #tpu.memory_space<semaphore_mem>>
      tpu.enqueue_dma source(%arg3 : memref<1000xf32, #tpu.memory_space<hbm>>) target(%arg7 : memref<1000xf32, #tpu.memory_space<vmem>>) target_semaphore(%run_scoped3A : memref<!tpu.dma_semaphore, #tpu.memory_space<semaphore_mem>>)
      tpu.wait_dma2 semaphore(%run_scoped3A : memref<!tpu.dma_semaphore, #tpu.memory_space<semaphore_mem>>) src(%arg3 : memref<1000xf32, #tpu.memory_space<hbm>>) dst(%arg7 : memref<1000xf32, #tpu.memory_space<vmem>>)
      tpu.yield
    }) : () -> ()
    %barrier3A = arith.constant 0 : index
    tpu.barrier barrier_id(%barrier3A)
    %mul3A_3 = arith.constant 5000 : i32
    %mul3A_4 = arith.muli %add3A, %mul3A_3 : i32
    %scan3A = arith.constant 0 : i32
    %scan3A_5 = arith.constant 5 : i32
    %scan3A_6 = arith.addi %scan3A, %scan3A_5 : i32
    %scan3A_7 = arith.constant 1 : i32
    scf.for %scan3A_15 = %scan3A to %scan3A_6 step %scan3A_7  : i32 {
      %mul3A_16 = arith.constant 1 : i32
      %mul3A_17 = arith.muli %scan3A_15, %mul3A_16 : i32
      %add3A_18 = arith.constant 0 : i32
      %add3A_19 = arith.addi %add3A_18, %mul3A_17 : i32
      %mul3A_20 = arith.constant 1000 : i32
      %mul3A_21 = arith.muli %add3A_19, %mul3A_20 : i32
      %add3A_22 = arith.addi %mul3A_4, %mul3A_21 : i32
      "tpu.region"() ({
        %run_scoped3A = tpu.sem_alloc : memref<!tpu.dma_semaphore, #tpu.memory_space<semaphore_mem>>
        %dma_start3A = tpu.memref_slice %arg2[%add3A_22] : memref<160000xi32, #tpu.memory_space<hbm>> -> memref<1000xi32, #tpu.memory_space<hbm>>
        %dma_start3A_23 = tpu.memref_slice %arg2[%add3A_22] : memref<160000xi32, #tpu.memory_space<hbm>> -> memref<1000xi32, #tpu.memory_space<hbm>>
        tpu.enqueue_dma source(%dma_start3A_23 : memref<1000xi32, #tpu.memory_space<hbm>>) target(%arg6 : memref<1000xi32, #tpu.memory_space<vmem>>) target_semaphore(%run_scoped3A : memref<!tpu.dma_semaphore, #tpu.memory_space<semaphore_mem>>)
        %dma_wait3A = tpu.memref_slice %arg2[%add3A_22] : memref<160000xi32, #tpu.memory_space<hbm>> -> memref<1000xi32, #tpu.memory_space<hbm>>
        %dma_wait3A_24 = tpu.memref_slice %arg2[%add3A_22] : memref<160000xi32, #tpu.memory_space<hbm>> -> memref<1000xi32, #tpu.memory_space<hbm>>
        tpu.wait_dma2 semaphore(%run_scoped3A : memref<!tpu.dma_semaphore, #tpu.memory_space<semaphore_mem>>) src(%dma_wait3A_24 : memref<1000xi32, #tpu.memory_space<hbm>>) dst(%arg6 : memref<1000xi32, #tpu.memory_space<vmem>>)
        tpu.yield
      }) : () -> ()
      "tpu.region"() ({
        %run_scoped3A = tpu.sem_alloc : memref<!tpu.dma_semaphore, #tpu.memory_space<semaphore_mem>>
        %dma_start3A = arith.constant 0 : i32
        %dma_start3A_23 = tpu.memref_slice %arg8[%dma_start3A] : memref<10000xf32, #tpu.memory_space<vmem_shared>> -> memref<10000xf32, #tpu.memory_space<vmem_shared>>
        tpu.enqueue_indirect_dma source(%arg7 : memref<1000xf32, #tpu.memory_space<vmem>>) target(%dma_start3A_23 : memref<10000xf32, #tpu.memory_space<vmem_shared>>) offsets(%arg6 : memref<1000xi32, #tpu.memory_space<vmem>>) semaphore(%run_scoped3A : memref<!tpu.dma_semaphore, #tpu.memory_space<semaphore_mem>>) {add = true}
        %dma_wait3A = arith.constant 0 : i32
        %dma_wait3A_24 = tpu.memref_slice %arg8[%dma_wait3A] : memref<10000xf32, #tpu.memory_space<vmem_shared>> -> memref<10000xf32, #tpu.memory_space<vmem_shared>>
        tpu.wait_indirect_dma semaphore(%run_scoped3A : memref<!tpu.dma_semaphore, #tpu.memory_space<semaphore_mem>>) src(%arg7 : memref<1000xf32, #tpu.memory_space<vmem>>) dst(%dma_wait3A_24 : memref<10000xf32, #tpu.memory_space<vmem_shared>>)
        tpu.yield
      }) : () -> ()
    }
    %scan3A_8 = arith.constant 5 : i32
    %barrier3A_9 = arith.constant 0 : index
    tpu.barrier barrier_id(%barrier3A_9)
    %eq3A_10 = arith.constant 0 : i32
    %eq3A_11 = arith.cmpi eq, %arg1, %eq3A_10 : i32
    %convert_element_type3A_12 = arith.extui %eq3A_11 : i1 to i32
    %cond3A_13 = arith.constant 0 : i32
    %cond3A_14 = arith.cmpi ne, %convert_element_type3A_12, %cond3A_13 : i32
    scf.if %cond3A_14 {
      "tpu.region"() ({
        %run_scoped3A = tpu.sem_alloc : memref<!tpu.dma_semaphore, #tpu.memory_space<semaphore_mem>>
        %dma_start3A = arith.constant 0 : i32
        %dma_start3A_15 = tpu.memref_slice %arg5[%arg0, %dma_start3A] : memref<2x10000xf32, #tpu.memory_space<hbm>> -> memref<1x10000xf32, #tpu.memory_space<hbm>>
        %dma_start3A_16 = tpu.memref_squeeze %dma_start3A_15 : memref<1x10000xf32, #tpu.memory_space<hbm>> -> memref<10000xf32, #tpu.memory_space<hbm>>
        tpu.enqueue_dma source(%arg8 : memref<10000xf32, #tpu.memory_space<vmem_shared>>) target(%dma_start3A_16 : memref<10000xf32, #tpu.memory_space<hbm>>) target_semaphore(%run_scoped3A : memref<!tpu.dma_semaphore, #tpu.memory_space<semaphore_mem>>)
        %dma_wait3A = arith.constant 0 : i32
        %dma_wait3A_17 = tpu.memref_slice %arg5[%arg0, %dma_wait3A] : memref<2x10000xf32, #tpu.memory_space<hbm>> -> memref<1x10000xf32, #tpu.memory_space<hbm>>
        %dma_wait3A_18 = tpu.memref_squeeze %dma_wait3A_17 : memref<1x10000xf32, #tpu.memory_space<hbm>> -> memref<10000xf32, #tpu.memory_space<hbm>>
        tpu.wait_dma2 semaphore(%run_scoped3A : memref<!tpu.dma_semaphore, #tpu.memory_space<semaphore_mem>>) src(%arg8 : memref<10000xf32, #tpu.memory_space<vmem_shared>>) dst(%dma_wait3A_18 : memref<10000xf32, #tpu.memory_space<hbm>>)
        tpu.yield
      }) : () -> ()
    } else {
    }
    return
  }
}

#map = affine_map<(d0, d1) -> (0, 0)>
#map1 = affine_map<(d0, d1) -> (0)>
#map2 = affine_map<(d0, d1) -> (0, 0, 0)>
module attributes {stable_mosaic.version = 14 : i64} {
  func.func @_agg_sc_body(%arg0: i32, %arg1: i32, %arg2: memref<20000x128xf32, #tpu.memory_space<hbm>>, %arg3: memref<160000xi32, #tpu.memory_space<hbm>>, %arg4: memref<160000xi32, #tpu.memory_space<hbm>>, %arg5: memref<10000x128xf32, #tpu.memory_space<hbm>>, %arg6: memref<2x10000x128xf32, #tpu.memory_space<hbm>>, %arg7: memref<80xi32, #tpu.memory_space<vmem>>, %arg8: memref<80xi32, #tpu.memory_space<vmem>>, %arg9: memref<80x128xf32, #tpu.memory_space<vmem>>, %arg10: memref<80xi32, #tpu.memory_space<vmem>>, %arg11: memref<80xi32, #tpu.memory_space<vmem>>, %arg12: memref<80x128xf32, #tpu.memory_space<vmem>>, %arg13: memref<10000x128xf32, #tpu.memory_space<vmem_shared>>, %arg14: memref<!tpu.dma_semaphore, #tpu.memory_space<semaphore_mem>>, %arg15: memref<!tpu.dma_semaphore, #tpu.memory_space<semaphore_mem>>) attributes {dimension_semantics = [#tpu.dimension_semantics<core_parallel>, #tpu.dimension_semantics<subcore_parallel>], iteration_bounds = array<i64: 2, 16>, scalar_prefetch = 0 : i64, scratch_operands = 9 : i64, tpu.core_type = #tpu.core_type<sc_vector_subcore>, window_params = [{transform_indices = #map}, {transform_indices = #map1}, {transform_indices = #map1}, {transform_indices = #map}, {transform_indices = #map2}]} {
    %mul3A = arith.constant 10000 : i32
    %mul3A_0 = arith.muli %arg1, %mul3A : i32
    %mul3A_1 = arith.constant 10000 : i32
    %mul3A_2 = arith.muli %arg0, %mul3A_1 : i32
    %lt3A = arith.constant 15 : i32
    %lt3A_3 = arith.cmpi slt, %arg1, %lt3A : i32
    %convert_element_type3A = arith.extui %lt3A_3 : i1 to i32
    %cond3A = arith.constant 0 : i32
    %cond3A_4 = arith.cmpi ne, %convert_element_type3A, %cond3A : i32
    scf.if %cond3A_4 {
      %mul3A_37 = arith.constant 624 : i32
      %mul3A_38 = arith.muli %arg1, %mul3A_37 : i32
      %multiple_of3A = tpu.assume_multiple %mul3A_38, 8 : i32
      "tpu.region"() ({
        %run_scoped3A = tpu.sem_alloc : memref<!tpu.dma_semaphore, #tpu.memory_space<semaphore_mem>>
        %dma_start3A_39 = arith.constant 0 : i32
        %dma_start3A_40 = tpu.memref_slice %arg13[%multiple_of3A, %dma_start3A_39] : memref<10000x128xf32, #tpu.memory_space<vmem_shared>> -> memref<624x128xf32, #tpu.memory_space<vmem_shared>>
        %dma_start3A_41 = arith.constant 0 : i32
        %dma_start3A_42 = tpu.memref_slice %arg5[%multiple_of3A, %dma_start3A_41] : memref<10000x128xf32, #tpu.memory_space<hbm>> -> memref<624x128xf32, #tpu.memory_space<hbm>>
        tpu.enqueue_dma source(%dma_start3A_42 : memref<624x128xf32, #tpu.memory_space<hbm>>) target(%dma_start3A_40 : memref<624x128xf32, #tpu.memory_space<vmem_shared>>) target_semaphore(%run_scoped3A : memref<!tpu.dma_semaphore, #tpu.memory_space<semaphore_mem>>)
        %dma_wait3A_43 = arith.constant 0 : i32
        %dma_wait3A_44 = tpu.memref_slice %arg13[%multiple_of3A, %dma_wait3A_43] : memref<10000x128xf32, #tpu.memory_space<vmem_shared>> -> memref<624x128xf32, #tpu.memory_space<vmem_shared>>
        %dma_wait3A_45 = arith.constant 0 : i32
        %dma_wait3A_46 = tpu.memref_slice %arg5[%multiple_of3A, %dma_wait3A_45] : memref<10000x128xf32, #tpu.memory_space<hbm>> -> memref<624x128xf32, #tpu.memory_space<hbm>>
        tpu.wait_dma2 semaphore(%run_scoped3A : memref<!tpu.dma_semaphore, #tpu.memory_space<semaphore_mem>>) src(%dma_wait3A_46 : memref<624x128xf32, #tpu.memory_space<hbm>>) dst(%dma_wait3A_44 : memref<624x128xf32, #tpu.memory_space<vmem_shared>>)
        tpu.yield
      }) : () -> ()
    } else {
    }
    %eq3A = arith.constant 15 : i32
    %eq3A_5 = arith.cmpi eq, %arg1, %eq3A : i32
    %convert_element_type3A_6 = arith.extui %eq3A_5 : i1 to i32
    %cond3A_7 = arith.constant 0 : i32
    %cond3A_8 = arith.cmpi ne, %convert_element_type3A_6, %cond3A_7 : i32
    scf.if %cond3A_8 {
      "tpu.region"() ({
        %run_scoped3A = tpu.sem_alloc : memref<!tpu.dma_semaphore, #tpu.memory_space<semaphore_mem>>
        %dma_start3A_37 = arith.constant 9360 : i32
        %dma_start3A_38 = arith.constant 0 : i32
        %dma_start3A_39 = tpu.memref_slice %arg13[%dma_start3A_37, %dma_start3A_38] : memref<10000x128xf32, #tpu.memory_space<vmem_shared>> -> memref<640x128xf32, #tpu.memory_space<vmem_shared>>
        %dma_start3A_40 = arith.constant 9360 : i32
        %dma_start3A_41 = arith.constant 0 : i32
        %dma_start3A_42 = tpu.memref_slice %arg5[%dma_start3A_40, %dma_start3A_41] : memref<10000x128xf32, #tpu.memory_space<hbm>> -> memref<640x128xf32, #tpu.memory_space<hbm>>
        tpu.enqueue_dma source(%dma_start3A_42 : memref<640x128xf32, #tpu.memory_space<hbm>>) target(%dma_start3A_39 : memref<640x128xf32, #tpu.memory_space<vmem_shared>>) target_semaphore(%run_scoped3A : memref<!tpu.dma_semaphore, #tpu.memory_space<semaphore_mem>>)
        %dma_wait3A_43 = arith.constant 9360 : i32
        %dma_wait3A_44 = arith.constant 0 : i32
        %dma_wait3A_45 = tpu.memref_slice %arg13[%dma_wait3A_43, %dma_wait3A_44] : memref<10000x128xf32, #tpu.memory_space<vmem_shared>> -> memref<640x128xf32, #tpu.memory_space<vmem_shared>>
        %dma_wait3A_46 = arith.constant 9360 : i32
        %dma_wait3A_47 = arith.constant 0 : i32
        %dma_wait3A_48 = tpu.memref_slice %arg5[%dma_wait3A_46, %dma_wait3A_47] : memref<10000x128xf32, #tpu.memory_space<hbm>> -> memref<640x128xf32, #tpu.memory_space<hbm>>
        tpu.wait_dma2 semaphore(%run_scoped3A : memref<!tpu.dma_semaphore, #tpu.memory_space<semaphore_mem>>) src(%dma_wait3A_48 : memref<640x128xf32, #tpu.memory_space<hbm>>) dst(%dma_wait3A_45 : memref<640x128xf32, #tpu.memory_space<vmem_shared>>)
        tpu.yield
      }) : () -> ()
    } else {
    }
    %barrier3A = arith.constant 0 : index
    tpu.barrier barrier_id(%barrier3A)
    %add3A = arith.constant 0 : i32
    %add3A_9 = arith.addi %mul3A_0, %add3A : i32
    "tpu.region"() ({
      %run_scoped3A = tpu.sem_alloc : memref<!tpu.dma_semaphore, #tpu.memory_space<semaphore_mem>>
      %dma_start3A_37 = tpu.memref_slice %arg3[%add3A_9] : memref<160000xi32, #tpu.memory_space<hbm>> -> memref<80xi32, #tpu.memory_space<hbm>>
      %dma_start3A_38 = tpu.memref_slice %arg3[%add3A_9] : memref<160000xi32, #tpu.memory_space<hbm>> -> memref<80xi32, #tpu.memory_space<hbm>>
      tpu.enqueue_dma source(%dma_start3A_38 : memref<80xi32, #tpu.memory_space<hbm>>) target(%arg7 : memref<80xi32, #tpu.memory_space<vmem>>) target_semaphore(%run_scoped3A : memref<!tpu.dma_semaphore, #tpu.memory_space<semaphore_mem>>)
      %dma_wait3A_39 = tpu.memref_slice %arg3[%add3A_9] : memref<160000xi32, #tpu.memory_space<hbm>> -> memref<80xi32, #tpu.memory_space<hbm>>
      %dma_wait3A_40 = tpu.memref_slice %arg3[%add3A_9] : memref<160000xi32, #tpu.memory_space<hbm>> -> memref<80xi32, #tpu.memory_space<hbm>>
      tpu.wait_dma2 semaphore(%run_scoped3A : memref<!tpu.dma_semaphore, #tpu.memory_space<semaphore_mem>>) src(%dma_wait3A_40 : memref<80xi32, #tpu.memory_space<hbm>>) dst(%arg7 : memref<80xi32, #tpu.memory_space<vmem>>)
      tpu.yield
    }) : () -> ()
    "tpu.region"() ({
      %run_scoped3A = tpu.sem_alloc : memref<!tpu.dma_semaphore, #tpu.memory_space<semaphore_mem>>
      %dma_start3A_37 = tpu.memref_slice %arg4[%add3A_9] : memref<160000xi32, #tpu.memory_space<hbm>> -> memref<80xi32, #tpu.memory_space<hbm>>
      %dma_start3A_38 = tpu.memref_slice %arg4[%add3A_9] : memref<160000xi32, #tpu.memory_space<hbm>> -> memref<80xi32, #tpu.memory_space<hbm>>
      tpu.enqueue_dma source(%dma_start3A_38 : memref<80xi32, #tpu.memory_space<hbm>>) target(%arg8 : memref<80xi32, #tpu.memory_space<vmem>>) target_semaphore(%run_scoped3A : memref<!tpu.dma_semaphore, #tpu.memory_space<semaphore_mem>>)
      %dma_wait3A_39 = tpu.memref_slice %arg4[%add3A_9] : memref<160000xi32, #tpu.memory_space<hbm>> -> memref<80xi32, #tpu.memory_space<hbm>>
      %dma_wait3A_40 = tpu.memref_slice %arg4[%add3A_9] : memref<160000xi32, #tpu.memory_space<hbm>> -> memref<80xi32, #tpu.memory_space<hbm>>
      tpu.wait_dma2 semaphore(%run_scoped3A : memref<!tpu.dma_semaphore, #tpu.memory_space<semaphore_mem>>) src(%dma_wait3A_40 : memref<80xi32, #tpu.memory_space<hbm>>) dst(%arg8 : memref<80xi32, #tpu.memory_space<vmem>>)
      tpu.yield
    }) : () -> ()
    %scan3A = arith.constant 0 : i32
    %scan3A_10 = arith.constant 5 : i32
    %scan3A_11 = arith.addi %scan3A, %scan3A_10 : i32
    %scan3A_12 = arith.constant 1 : i32
    scf.for %scan3A_37 = %scan3A to %scan3A_11 step %scan3A_12  : i32 {
      %mul3A_38 = arith.constant 16 : i32
      %mul3A_39 = arith.muli %scan3A_37, %mul3A_38 : i32
      %add3A_40 = arith.constant 0 : i32
      %add3A_41 = arith.addi %add3A_40, %mul3A_39 : i32
      %get3A = arith.index_cast %add3A_41 : i32 to index
      %get3A_42 = tpu.vector_load %arg7[%get3A] {strides = array<i32>} : memref<80xi32, #tpu.memory_space<vmem>>, vector<16xi32>,
      %get3A_43 = vector.shape_cast %get3A_42 : vector<16xi32> to vector<16xi32>
      %add3A_44 = vector.broadcast %mul3A_2 : i32 to vector<16xi32>
      %add3A_45 = arith.addi %get3A_43, %add3A_44 : vector<16xi32>
      %swap3A = arith.index_cast %add3A_41 : i32 to index
      %swap3A_46 = tpu.vector_load %arg7[%swap3A] {strides = array<i32>} : memref<80xi32, #tpu.memory_space<vmem>>, vector<16xi32>,
      %swap3A_47 = vector.shape_cast %swap3A_46 : vector<16xi32> to vector<16xi32>
      %swap3A_48 = vector.shape_cast %add3A_45 : vector<16xi32> to vector<16xi32>
      tpu.vector_store %arg7[%swap3A], %swap3A_48 {strides = array<i32>} : memref<80xi32, #tpu.memory_space<vmem>>, vector<16xi32>,
    }
    %scan3A_13 = arith.constant 5 : i32
    %dma_start3A = arith.constant 0 : i32
    %dma_start3A_14 = arith.constant 0 : i32
    %dma_start3A_15 = tpu.memref_slice %arg2[%dma_start3A, %dma_start3A_14] : memref<20000x128xf32, #tpu.memory_space<hbm>> -> memref<20000x128xf32, #tpu.memory_space<hbm>>
    tpu.enqueue_indirect_dma source(%dma_start3A_15 : memref<20000x128xf32, #tpu.memory_space<hbm>>) target(%arg9 : memref<80x128xf32, #tpu.memory_space<vmem>>) offsets(%arg7 : memref<80xi32, #tpu.memory_space<vmem>>) semaphore(%arg14 : memref<!tpu.dma_semaphore, #tpu.memory_space<semaphore_mem>>)
    %scan3A_16 = arith.constant 0 : i32
    %scan3A_17 = arith.constant 62 : i32
    %scan3A_18 = arith.addi %scan3A_16, %scan3A_17 : i32
    %scan3A_19 = arith.constant 1 : i32
    scf.for %scan3A_37 = %scan3A_16 to %scan3A_18 step %scan3A_19  : i32 {
      %mul3A_38 = arith.constant 1 : i32
      %mul3A_39 = arith.muli %scan3A_37, %mul3A_38 : i32
      %add3A_40 = arith.constant 0 : i32
      %add3A_41 = arith.addi %add3A_40, %mul3A_39 : i32
      %mul3A_42 = arith.constant 2 : i32
      %mul3A_43 = arith.muli %mul3A_42, %add3A_41 : i32
      %add3A_44 = arith.constant 1 : i32
      %add3A_45 = arith.addi %mul3A_43, %add3A_44 : i32
      %mul3A_46 = arith.constant 80 : i32
      %mul3A_47 = arith.muli %add3A_45, %mul3A_46 : i32
      %add3A_48 = arith.addi %mul3A_0, %mul3A_47 : i32
      "tpu.region"() ({
        %run_scoped3A = tpu.sem_alloc : memref<!tpu.dma_semaphore, #tpu.memory_space<semaphore_mem>>
        %dma_start3A_84 = tpu.memref_slice %arg3[%add3A_48] : memref<160000xi32, #tpu.memory_space<hbm>> -> memref<80xi32, #tpu.memory_space<hbm>>
        %dma_start3A_85 = tpu.memref_slice %arg3[%add3A_48] : memref<160000xi32, #tpu.memory_space<hbm>> -> memref<80xi32, #tpu.memory_space<hbm>>
        tpu.enqueue_dma source(%dma_start3A_85 : memref<80xi32, #tpu.memory_space<hbm>>) target(%arg10 : memref<80xi32, #tpu.memory_space<vmem>>) target_semaphore(%run_scoped3A : memref<!tpu.dma_semaphore, #tpu.memory_space<semaphore_mem>>)
        %dma_wait3A_86 = tpu.memref_slice %arg3[%add3A_48] : memref<160000xi32, #tpu.memory_space<hbm>> -> memref<80xi32, #tpu.memory_space<hbm>>
        %dma_wait3A_87 = tpu.memref_slice %arg3[%add3A_48] : memref<160000xi32, #tpu.memory_space<hbm>> -> memref<80xi32, #tpu.memory_space<hbm>>
        tpu.wait_dma2 semaphore(%run_scoped3A : memref<!tpu.dma_semaphore, #tpu.memory_space<semaphore_mem>>) src(%dma_wait3A_87 : memref<80xi32, #tpu.memory_space<hbm>>) dst(%arg10 : memref<80xi32, #tpu.memory_space<vmem>>)
        tpu.yield
      }) : () -> ()
      "tpu.region"() ({
        %run_scoped3A = tpu.sem_alloc : memref<!tpu.dma_semaphore, #tpu.memory_space<semaphore_mem>>
        %dma_start3A_84 = tpu.memref_slice %arg4[%add3A_48] : memref<160000xi32, #tpu.memory_space<hbm>> -> memref<80xi32, #tpu.memory_space<hbm>>
        %dma_start3A_85 = tpu.memref_slice %arg4[%add3A_48] : memref<160000xi32, #tpu.memory_space<hbm>> -> memref<80xi32, #tpu.memory_space<hbm>>
        tpu.enqueue_dma source(%dma_start3A_85 : memref<80xi32, #tpu.memory_space<hbm>>) target(%arg11 : memref<80xi32, #tpu.memory_space<vmem>>) target_semaphore(%run_scoped3A : memref<!tpu.dma_semaphore, #tpu.memory_space<semaphore_mem>>)
        %dma_wait3A_86 = tpu.memref_slice %arg4[%add3A_48] : memref<160000xi32, #tpu.memory_space<hbm>> -> memref<80xi32, #tpu.memory_space<hbm>>
        %dma_wait3A_87 = tpu.memref_slice %arg4[%add3A_48] : memref<160000xi32, #tpu.memory_space<hbm>> -> memref<80xi32, #tpu.memory_space<hbm>>
        tpu.wait_dma2 semaphore(%run_scoped3A : memref<!tpu.dma_semaphore, #tpu.memory_space<semaphore_mem>>) src(%dma_wait3A_87 : memref<80xi32, #tpu.memory_space<hbm>>) dst(%arg11 : memref<80xi32, #tpu.memory_space<vmem>>)
        tpu.yield
      }) : () -> ()
      %scan3A_49 = arith.constant 0 : i32
      %scan3A_50 = arith.constant 5 : i32
      %scan3A_51 = arith.addi %scan3A_49, %scan3A_50 : i32
      %scan3A_52 = arith.constant 1 : i32
      scf.for %scan3A_84 = %scan3A_49 to %scan3A_51 step %scan3A_52  : i32 {
        %mul3A_85 = arith.constant 16 : i32
        %mul3A_86 = arith.muli %scan3A_84, %mul3A_85 : i32
        %add3A_87 = arith.constant 0 : i32
        %add3A_88 = arith.addi %add3A_87, %mul3A_86 : i32
        %get3A = arith.index_cast %add3A_88 : i32 to index
        %get3A_89 = tpu.vector_load %arg10[%get3A] {strides = array<i32>} : memref<80xi32, #tpu.memory_space<vmem>>, vector<16xi32>,
        %get3A_90 = vector.shape_cast %get3A_89 : vector<16xi32> to vector<16xi32>
        %add3A_91 = vector.broadcast %mul3A_2 : i32 to vector<16xi32>
        %add3A_92 = arith.addi %get3A_90, %add3A_91 : vector<16xi32>
        %swap3A = arith.index_cast %add3A_88 : i32 to index
        %swap3A_93 = tpu.vector_load %arg10[%swap3A] {strides = array<i32>} : memref<80xi32, #tpu.memory_space<vmem>>, vector<16xi32>,
        %swap3A_94 = vector.shape_cast %swap3A_93 : vector<16xi32> to vector<16xi32>
        %swap3A_95 = vector.shape_cast %add3A_92 : vector<16xi32> to vector<16xi32>
        tpu.vector_store %arg10[%swap3A], %swap3A_95 {strides = array<i32>} : memref<80xi32, #tpu.memory_space<vmem>>, vector<16xi32>,
      }
      %scan3A_53 = arith.constant 5 : i32
      %dma_start3A_54 = arith.constant 0 : i32
      %dma_start3A_55 = arith.constant 0 : i32
      %dma_start3A_56 = tpu.memref_slice %arg2[%dma_start3A_54, %dma_start3A_55] : memref<20000x128xf32, #tpu.memory_space<hbm>> -> memref<20000x128xf32, #tpu.memory_space<hbm>>
      tpu.enqueue_indirect_dma source(%dma_start3A_56 : memref<20000x128xf32, #tpu.memory_space<hbm>>) target(%arg12 : memref<80x128xf32, #tpu.memory_space<vmem>>) offsets(%arg10 : memref<80xi32, #tpu.memory_space<vmem>>) semaphore(%arg15 : memref<!tpu.dma_semaphore, #tpu.memory_space<semaphore_mem>>)
      %dma_wait3A_57 = arith.constant 0 : i32
      %dma_wait3A_58 = arith.constant 0 : i32
      %dma_wait3A_59 = tpu.memref_slice %arg2[%dma_wait3A_57, %dma_wait3A_58] : memref<20000x128xf32, #tpu.memory_space<hbm>> -> memref<80x128xf32, #tpu.memory_space<hbm>>
      %dma_wait3A_60 = arith.constant 0 : i32
      %dma_wait3A_61 = arith.constant 0 : i32
      %dma_wait3A_62 = tpu.memref_slice %arg2[%dma_wait3A_60, %dma_wait3A_61] : memref<20000x128xf32, #tpu.memory_space<hbm>> -> memref<80x128xf32, #tpu.memory_space<hbm>>
      tpu.wait_dma2 semaphore(%arg14 : memref<!tpu.dma_semaphore, #tpu.memory_space<semaphore_mem>>) src(%dma_wait3A_62 : memref<80x128xf32, #tpu.memory_space<hbm>>) dst(%arg9 : memref<80x128xf32, #tpu.memory_space<vmem>>)
      "tpu.region"() ({
        %run_scoped3A = tpu.sem_alloc : memref<!tpu.dma_semaphore, #tpu.memory_space<semaphore_mem>>
        %dma_start3A_84 = arith.constant 0 : i32
        %dma_start3A_85 = arith.constant 0 : i32
        %dma_start3A_86 = tpu.memref_slice %arg13[%dma_start3A_84, %dma_start3A_85] : memref<10000x128xf32, #tpu.memory_space<vmem_shared>> -> memref<10000x128xf32, #tpu.memory_space<vmem_shared>>
        tpu.enqueue_indirect_dma source(%arg9 : memref<80x128xf32, #tpu.memory_space<vmem>>) target(%dma_start3A_86 : memref<10000x128xf32, #tpu.memory_space<vmem_shared>>) offsets(%arg8 : memref<80xi32, #tpu.memory_space<vmem>>) semaphore(%run_scoped3A : memref<!tpu.dma_semaphore, #tpu.memory_space<semaphore_mem>>) {add = true}
        %dma_wait3A_87 = arith.constant 0 : i32
        %dma_wait3A_88 = arith.constant 0 : i32
        %dma_wait3A_89 = tpu.memref_slice %arg13[%dma_wait3A_87, %dma_wait3A_88] : memref<10000x128xf32, #tpu.memory_space<vmem_shared>> -> memref<10000x128xf32, #tpu.memory_space<vmem_shared>>
        tpu.wait_indirect_dma semaphore(%run_scoped3A : memref<!tpu.dma_semaphore, #tpu.memory_space<semaphore_mem>>) src(%arg9 : memref<80x128xf32, #tpu.memory_space<vmem>>) dst(%dma_wait3A_89 : memref<10000x128xf32, #tpu.memory_space<vmem_shared>>)
        tpu.yield
      }) : () -> ()
      %mul3A_63 = arith.constant 2 : i32
      %mul3A_64 = arith.muli %mul3A_63, %add3A_41 : i32
      %add3A_65 = arith.constant 2 : i32
      %add3A_66 = arith.addi %mul3A_64, %add3A_65 : i32
      %mul3A_67 = arith.constant 80 : i32
      %mul3A_68 = arith.muli %add3A_66, %mul3A_67 : i32
      %add3A_69 = arith.addi %mul3A_0, %mul3A_68 : i32
      "tpu.region"() ({
        %run_scoped3A = tpu.sem_alloc : memref<!tpu.dma_semaphore, #tpu.memory_space<semaphore_mem>>
        %dma_start3A_84 = tpu.memref_slice %arg3[%add3A_69] : memref<160000xi32, #tpu.memory_space<hbm>> -> memref<80xi32, #tpu.memory_space<hbm>>
        %dma_start3A_85 = tpu.memref_slice %arg3[%add3A_69] : memref<160000xi32, #tpu.memory_space<hbm>> -> memref<80xi32, #tpu.memory_space<hbm>>
        tpu.enqueue_dma source(%dma_start3A_85 : memref<80xi32, #tpu.memory_space<hbm>>) target(%arg7 : memref<80xi32, #tpu.memory_space<vmem>>) target_semaphore(%run_scoped3A : memref<!tpu.dma_semaphore, #tpu.memory_space<semaphore_mem>>)
        %dma_wait3A_86 = tpu.memref_slice %arg3[%add3A_69] : memref<160000xi32, #tpu.memory_space<hbm>> -> memref<80xi32, #tpu.memory_space<hbm>>
        %dma_wait3A_87 = tpu.memref_slice %arg3[%add3A_69] : memref<160000xi32, #tpu.memory_space<hbm>> -> memref<80xi32, #tpu.memory_space<hbm>>
        tpu.wait_dma2 semaphore(%run_scoped3A : memref<!tpu.dma_semaphore, #tpu.memory_space<semaphore_mem>>) src(%dma_wait3A_87 : memref<80xi32, #tpu.memory_space<hbm>>) dst(%arg7 : memref<80xi32, #tpu.memory_space<vmem>>)
        tpu.yield
      }) : () -> ()
      "tpu.region"() ({
        %run_scoped3A = tpu.sem_alloc : memref<!tpu.dma_semaphore, #tpu.memory_space<semaphore_mem>>
        %dma_start3A_84 = tpu.memref_slice %arg4[%add3A_69] : memref<160000xi32, #tpu.memory_space<hbm>> -> memref<80xi32, #tpu.memory_space<hbm>>
        %dma_start3A_85 = tpu.memref_slice %arg4[%add3A_69] : memref<160000xi32, #tpu.memory_space<hbm>> -> memref<80xi32, #tpu.memory_space<hbm>>
        tpu.enqueue_dma source(%dma_start3A_85 : memref<80xi32, #tpu.memory_space<hbm>>) target(%arg8 : memref<80xi32, #tpu.memory_space<vmem>>) target_semaphore(%run_scoped3A : memref<!tpu.dma_semaphore, #tpu.memory_space<semaphore_mem>>)
        %dma_wait3A_86 = tpu.memref_slice %arg4[%add3A_69] : memref<160000xi32, #tpu.memory_space<hbm>> -> memref<80xi32, #tpu.memory_space<hbm>>
        %dma_wait3A_87 = tpu.memref_slice %arg4[%add3A_69] : memref<160000xi32, #tpu.memory_space<hbm>> -> memref<80xi32, #tpu.memory_space<hbm>>
        tpu.wait_dma2 semaphore(%run_scoped3A : memref<!tpu.dma_semaphore, #tpu.memory_space<semaphore_mem>>) src(%dma_wait3A_87 : memref<80xi32, #tpu.memory_space<hbm>>) dst(%arg8 : memref<80xi32, #tpu.memory_space<vmem>>)
        tpu.yield
      }) : () -> ()
      %scan3A_70 = arith.constant 0 : i32
      %scan3A_71 = arith.constant 5 : i32
      %scan3A_72 = arith.addi %scan3A_70, %scan3A_71 : i32
      %scan3A_73 = arith.constant 1 : i32
      scf.for %scan3A_84 = %scan3A_70 to %scan3A_72 step %scan3A_73  : i32 {
        %mul3A_85 = arith.constant 16 : i32
        %mul3A_86 = arith.muli %scan3A_84, %mul3A_85 : i32
        %add3A_87 = arith.constant 0 : i32
        %add3A_88 = arith.addi %add3A_87, %mul3A_86 : i32
        %get3A = arith.index_cast %add3A_88 : i32 to index
        %get3A_89 = tpu.vector_load %arg7[%get3A] {strides = array<i32>} : memref<80xi32, #tpu.memory_space<vmem>>, vector<16xi32>,
        %get3A_90 = vector.shape_cast %get3A_89 : vector<16xi32> to vector<16xi32>
        %add3A_91 = vector.broadcast %mul3A_2 : i32 to vector<16xi32>
        %add3A_92 = arith.addi %get3A_90, %add3A_91 : vector<16xi32>
        %swap3A = arith.index_cast %add3A_88 : i32 to index
        %swap3A_93 = tpu.vector_load %arg7[%swap3A] {strides = array<i32>} : memref<80xi32, #tpu.memory_space<vmem>>, vector<16xi32>,
        %swap3A_94 = vector.shape_cast %swap3A_93 : vector<16xi32> to vector<16xi32>
        %swap3A_95 = vector.shape_cast %add3A_92 : vector<16xi32> to vector<16xi32>
        tpu.vector_store %arg7[%swap3A], %swap3A_95 {strides = array<i32>} : memref<80xi32, #tpu.memory_space<vmem>>, vector<16xi32>,
      }
      %scan3A_74 = arith.constant 5 : i32
      %dma_start3A_75 = arith.constant 0 : i32
      %dma_start3A_76 = arith.constant 0 : i32
      %dma_start3A_77 = tpu.memref_slice %arg2[%dma_start3A_75, %dma_start3A_76] : memref<20000x128xf32, #tpu.memory_space<hbm>> -> memref<20000x128xf32, #tpu.memory_space<hbm>>
      tpu.enqueue_indirect_dma source(%dma_start3A_77 : memref<20000x128xf32, #tpu.memory_space<hbm>>) target(%arg9 : memref<80x128xf32, #tpu.memory_space<vmem>>) offsets(%arg7 : memref<80xi32, #tpu.memory_space<vmem>>) semaphore(%arg14 : memref<!tpu.dma_semaphore, #tpu.memory_space<semaphore_mem>>)
      %dma_wait3A_78 = arith.constant 0 : i32
      %dma_wait3A_79 = arith.constant 0 : i32
      %dma_wait3A_80 = tpu.memref_slice %arg2[%dma_wait3A_78, %dma_wait3A_79] : memref<20000x128xf32, #tpu.memory_space<hbm>> -> memref<80x128xf32, #tpu.memory_space<hbm>>
      %dma_wait3A_81 = arith.constant 0 : i32
      %dma_wait3A_82 = arith.constant 0 : i32
      %dma_wait3A_83 = tpu.memref_slice %arg2[%dma_wait3A_81, %dma_wait3A_82] : memref<20000x128xf32, #tpu.memory_space<hbm>> -> memref<80x128xf32, #tpu.memory_space<hbm>>
      tpu.wait_dma2 semaphore(%arg15 : memref<!tpu.dma_semaphore, #tpu.memory_space<semaphore_mem>>) src(%dma_wait3A_83 : memref<80x128xf32, #tpu.memory_space<hbm>>) dst(%arg12 : memref<80x128xf32, #tpu.memory_space<vmem>>)
      "tpu.region"() ({
        %run_scoped3A = tpu.sem_alloc : memref<!tpu.dma_semaphore, #tpu.memory_space<semaphore_mem>>
        %dma_start3A_84 = arith.constant 0 : i32
        %dma_start3A_85 = arith.constant 0 : i32
        %dma_start3A_86 = tpu.memref_slice %arg13[%dma_start3A_84, %dma_start3A_85] : memref<10000x128xf32, #tpu.memory_space<vmem_shared>> -> memref<10000x128xf32, #tpu.memory_space<vmem_shared>>
        tpu.enqueue_indirect_dma source(%arg12 : memref<80x128xf32, #tpu.memory_space<vmem>>) target(%dma_start3A_86 : memref<10000x128xf32, #tpu.memory_space<vmem_shared>>) offsets(%arg11 : memref<80xi32, #tpu.memory_space<vmem>>) semaphore(%run_scoped3A : memref<!tpu.dma_semaphore, #tpu.memory_space<semaphore_mem>>) {add = true}
        %dma_wait3A_87 = arith.constant 0 : i32
        %dma_wait3A_88 = arith.constant 0 : i32
        %dma_wait3A_89 = tpu.memref_slice %arg13[%dma_wait3A_87, %dma_wait3A_88] : memref<10000x128xf32, #tpu.memory_space<vmem_shared>> -> memref<10000x128xf32, #tpu.memory_space<vmem_shared>>
        tpu.wait_indirect_dma semaphore(%run_scoped3A : memref<!tpu.dma_semaphore, #tpu.memory_space<semaphore_mem>>) src(%arg12 : memref<80x128xf32, #tpu.memory_space<vmem>>) dst(%dma_wait3A_89 : memref<10000x128xf32, #tpu.memory_space<vmem_shared>>)
        tpu.yield
      }) : () -> ()
    }
    %scan3A_20 = arith.constant 62 : i32
    %dma_wait3A = arith.constant 0 : i32
    %dma_wait3A_21 = arith.constant 0 : i32
    %dma_wait3A_22 = tpu.memref_slice %arg2[%dma_wait3A, %dma_wait3A_21] : memref<20000x128xf32, #tpu.memory_space<hbm>> -> memref<80x128xf32, #tpu.memory_space<hbm>>
    %dma_wait3A_23 = arith.constant 0 : i32
    %dma_wait3A_24 = arith.constant 0 : i32
    %dma_wait3A_25 = tpu.memref_slice %arg2[%dma_wait3A_23, %dma_wait3A_24] : memref<20000x128xf32, #tpu.memory_space<hbm>> -> memref<80x128xf32, #tpu.memory_space<hbm>>
    tpu.wait_dma2 semaphore(%arg14 : memref<!tpu.dma_semaphore, #tpu.memory_space<semaphore_mem>>) src(%dma_wait3A_25 : memref<80x128xf32, #tpu.memory_space<hbm>>) dst(%arg9 : memref<80x128xf32, #tpu.memory_space<vmem>>)
    "tpu.region"() ({
      %run_scoped3A = tpu.sem_alloc : memref<!tpu.dma_semaphore, #tpu.memory_space<semaphore_mem>>
      %dma_start3A_37 = arith.constant 0 : i32
      %dma_start3A_38 = arith.constant 0 : i32
      %dma_start3A_39 = tpu.memref_slice %arg13[%dma_start3A_37, %dma_start3A_38] : memref<10000x128xf32, #tpu.memory_space<vmem_shared>> -> memref<10000x128xf32, #tpu.memory_space<vmem_shared>>
      tpu.enqueue_indirect_dma source(%arg9 : memref<80x128xf32, #tpu.memory_space<vmem>>) target(%dma_start3A_39 : memref<10000x128xf32, #tpu.memory_space<vmem_shared>>) offsets(%arg8 : memref<80xi32, #tpu.memory_space<vmem>>) semaphore(%run_scoped3A : memref<!tpu.dma_semaphore, #tpu.memory_space<semaphore_mem>>) {add = true}
      %dma_wait3A_40 = arith.constant 0 : i32
      %dma_wait3A_41 = arith.constant 0 : i32
      %dma_wait3A_42 = tpu.memref_slice %arg13[%dma_wait3A_40, %dma_wait3A_41] : memref<10000x128xf32, #tpu.memory_space<vmem_shared>> -> memref<10000x128xf32, #tpu.memory_space<vmem_shared>>
      tpu.wait_indirect_dma semaphore(%run_scoped3A : memref<!tpu.dma_semaphore, #tpu.memory_space<semaphore_mem>>) src(%arg9 : memref<80x128xf32, #tpu.memory_space<vmem>>) dst(%dma_wait3A_42 : memref<10000x128xf32, #tpu.memory_space<vmem_shared>>)
      tpu.yield
    }) : () -> ()
    %barrier3A_26 = arith.constant 0 : index
    tpu.barrier barrier_id(%barrier3A_26)
    %lt3A_27 = arith.constant 15 : i32
    %lt3A_28 = arith.cmpi slt, %arg1, %lt3A_27 : i32
    %convert_element_type3A_29 = arith.extui %lt3A_28 : i1 to i32
    %cond3A_30 = arith.constant 0 : i32
    %cond3A_31 = arith.cmpi ne, %convert_element_type3A_29, %cond3A_30 : i32
    scf.if %cond3A_31 {
      %mul3A_37 = arith.constant 624 : i32
      %mul3A_38 = arith.muli %arg1, %mul3A_37 : i32
      %multiple_of3A = tpu.assume_multiple %mul3A_38, 8 : i32
      "tpu.region"() ({
        %run_scoped3A = tpu.sem_alloc : memref<!tpu.dma_semaphore, #tpu.memory_space<semaphore_mem>>
        %dma_start3A_39 = arith.constant 0 : i32
        %dma_start3A_40 = arith.constant 0 : i32
        %dma_start3A_41 = tpu.memref_slice %arg6[%arg0, %dma_start3A_39, %dma_start3A_40] : memref<2x10000x128xf32, #tpu.memory_space<hbm>> -> memref<1x10000x128xf32, #tpu.memory_space<hbm>>
        %dma_start3A_42 = tpu.memref_squeeze %dma_start3A_41 : memref<1x10000x128xf32, #tpu.memory_space<hbm>> -> memref<10000x128xf32, #tpu.memory_space<hbm>>
        %dma_start3A_43 = arith.constant 0 : i32
        %dma_start3A_44 = tpu.memref_slice %dma_start3A_42[%multiple_of3A, %dma_start3A_43] : memref<10000x128xf32, #tpu.memory_space<hbm>> -> memref<624x128xf32, #tpu.memory_space<hbm>>
        %dma_start3A_45 = arith.constant 0 : i32
        %dma_start3A_46 = tpu.memref_slice %arg13[%multiple_of3A, %dma_start3A_45] : memref<10000x128xf32, #tpu.memory_space<vmem_shared>> -> memref<624x128xf32, #tpu.memory_space<vmem_shared>>
        tpu.enqueue_dma source(%dma_start3A_46 : memref<624x128xf32, #tpu.memory_space<vmem_shared>>) target(%dma_start3A_44 : memref<624x128xf32, #tpu.memory_space<hbm>>) target_semaphore(%run_scoped3A : memref<!tpu.dma_semaphore, #tpu.memory_space<semaphore_mem>>)
        %dma_wait3A_47 = arith.constant 0 : i32
        %dma_wait3A_48 = arith.constant 0 : i32
        %dma_wait3A_49 = tpu.memref_slice %arg6[%arg0, %dma_wait3A_47, %dma_wait3A_48] : memref<2x10000x128xf32, #tpu.memory_space<hbm>> -> memref<1x10000x128xf32, #tpu.memory_space<hbm>>
        %dma_wait3A_50 = tpu.memref_squeeze %dma_wait3A_49 : memref<1x10000x128xf32, #tpu.memory_space<hbm>> -> memref<10000x128xf32, #tpu.memory_space<hbm>>
        %dma_wait3A_51 = arith.constant 0 : i32
        %dma_wait3A_52 = tpu.memref_slice %dma_wait3A_50[%multiple_of3A, %dma_wait3A_51] : memref<10000x128xf32, #tpu.memory_space<hbm>> -> memref<624x128xf32, #tpu.memory_space<hbm>>
        %dma_wait3A_53 = arith.constant 0 : i32
        %dma_wait3A_54 = tpu.memref_slice %arg13[%multiple_of3A, %dma_wait3A_53] : memref<10000x128xf32, #tpu.memory_space<vmem_shared>> -> memref<624x128xf32, #tpu.memory_space<vmem_shared>>
        tpu.wait_dma2 semaphore(%run_scoped3A : memref<!tpu.dma_semaphore, #tpu.memory_space<semaphore_mem>>) src(%dma_wait3A_54 : memref<624x128xf32, #tpu.memory_space<vmem_shared>>) dst(%dma_wait3A_52 : memref<624x128xf32, #tpu.memory_space<hbm>>)
        tpu.yield
      }) : () -> ()
    } else {
    }
    %eq3A_32 = arith.constant 15 : i32
    %eq3A_33 = arith.cmpi eq, %arg1, %eq3A_32 : i32
    %convert_element_type3A_34 = arith.extui %eq3A_33 : i1 to i32
    %cond3A_35 = arith.constant 0 : i32
    %cond3A_36 = arith.cmpi ne, %convert_element_type3A_34, %cond3A_35 : i32
    scf.if %cond3A_36 {
      "tpu.region"() ({
        %run_scoped3A = tpu.sem_alloc : memref<!tpu.dma_semaphore, #tpu.memory_space<semaphore_mem>>
        %dma_start3A_37 = arith.constant 0 : i32
        %dma_start3A_38 = arith.constant 0 : i32
        %dma_start3A_39 = tpu.memref_slice %arg6[%arg0, %dma_start3A_37, %dma_start3A_38] : memref<2x10000x128xf32, #tpu.memory_space<hbm>> -> memref<1x10000x128xf32, #tpu.memory_space<hbm>>
        %dma_start3A_40 = tpu.memref_squeeze %dma_start3A_39 : memref<1x10000x128xf32, #tpu.memory_space<hbm>> -> memref<10000x128xf32, #tpu.memory_space<hbm>>
        %dma_start3A_41 = arith.constant 9360 : i32
        %dma_start3A_42 = arith.constant 0 : i32
        %dma_start3A_43 = tpu.memref_slice %dma_start3A_40[%dma_start3A_41, %dma_start3A_42] : memref<10000x128xf32, #tpu.memory_space<hbm>> -> memref<640x128xf32, #tpu.memory_space<hbm>>
        %dma_start3A_44 = arith.constant 9360 : i32
        %dma_start3A_45 = arith.constant 0 : i32
        %dma_start3A_46 = tpu.memref_slice %arg13[%dma_start3A_44, %dma_start3A_45] : memref<10000x128xf32, #tpu.memory_space<vmem_shared>> -> memref<640x128xf32, #tpu.memory_space<vmem_shared>>
        tpu.enqueue_dma source(%dma_start3A_46 : memref<640x128xf32, #tpu.memory_space<vmem_shared>>) target(%dma_start3A_43 : memref<640x128xf32, #tpu.memory_space<hbm>>) target_semaphore(%run_scoped3A : memref<!tpu.dma_semaphore, #tpu.memory_space<semaphore_mem>>)
        %dma_wait3A_47 = arith.constant 0 : i32
        %dma_wait3A_48 = arith.constant 0 : i32
        %dma_wait3A_49 = tpu.memref_slice %arg6[%arg0, %dma_wait3A_47, %dma_wait3A_48] : memref<2x10000x128xf32, #tpu.memory_space<hbm>> -> memref<1x10000x128xf32, #tpu.memory_space<hbm>>
        %dma_wait3A_50 = tpu.memref_squeeze %dma_wait3A_49 : memref<1x10000x128xf32, #tpu.memory_space<hbm>> -> memref<10000x128xf32, #tpu.memory_space<hbm>>
        %dma_wait3A_51 = arith.constant 9360 : i32
        %dma_wait3A_52 = arith.constant 0 : i32
        %dma_wait3A_53 = tpu.memref_slice %dma_wait3A_50[%dma_wait3A_51, %dma_wait3A_52] : memref<10000x128xf32, #tpu.memory_space<hbm>> -> memref<640x128xf32, #tpu.memory_space<hbm>>
        %dma_wait3A_54 = arith.constant 9360 : i32
        %dma_wait3A_55 = arith.constant 0 : i32
        %dma_wait3A_56 = tpu.memref_slice %arg13[%dma_wait3A_54, %dma_wait3A_55] : memref<10000x128xf32, #tpu.memory_space<vmem_shared>> -> memref<640x128xf32, #tpu.memory_space<vmem_shared>>
        tpu.wait_dma2 semaphore(%run_scoped3A : memref<!tpu.dma_semaphore, #tpu.memory_space<semaphore_mem>>) src(%dma_wait3A_56 : memref<640x128xf32, #tpu.memory_space<vmem_shared>>) dst(%dma_wait3A_53 : memref<640x128xf32, #tpu.memory_space<hbm>>)
        tpu.yield
      }) : () -> ()
    } else {
    }
    return
  }
}

module attributes {stable_mosaic.version = 14 : i64} {
  func.func @_pass1_body(%arg0: i32, %arg1: memref<2x1000x1xf32, #tpu.memory_space<vmem>>, %arg2: memref<1000x256xf32, #tpu.memory_space<vmem>>, %arg3: memref<2x1000x128xf32, #tpu.memory_space<vmem>>, %arg4: memref<1000x1xf32, #tpu.memory_space<vmem>>) attributes {dimension_semantics = [#tpu.dimension_semantics<arbitrary>], iteration_bounds = array<i64: 10>, scalar_prefetch = 0 : i64, scratch_operands = 0 : i64, tpu.core_type = #tpu.core_type<tc>, window_params = [{transform_indices = @transform_0, window_bounds = array<i64: 2, 1000, 1>}, {transform_indices = @transform_1, window_bounds = array<i64: 1000, 256>}, {transform_indices = @transform_2, window_bounds = array<i64: 2, 1000, 128>}, {transform_indices = @transform_3, window_bounds = array<i64: 1000, 1>}]} {
    %get3A = arith.constant 0 : index
    %get3A_0 = arith.constant 0 : index
    %get3A_1 = arith.constant 0 : index
    %get3A_2 = vector.load %arg1[%get3A, %get3A_0, %get3A_1] : memref<2x1000x1xf32, #tpu.memory_space<vmem>>, vector<2x1000x1xf32>
    %slice3A = vector.extract_strided_slice %get3A_2 {offsets = [0, 0, 0], sizes = [1, 1000, 1], strides = [1, 1, 1]} : vector<2x1000x1xf32> to vector<1x1000x1xf32>
    %squeeze3A = vector.shape_cast %slice3A : vector<1x1000x1xf32> to vector<1000xf32>
    %slice3A_3 = vector.extract_strided_slice %get3A_2 {offsets = [1, 0, 0], sizes = [1, 1000, 1], strides = [1, 1, 1]} : vector<2x1000x1xf32> to vector<1x1000x1xf32>
    %squeeze3A_4 = vector.shape_cast %slice3A_3 : vector<1x1000x1xf32> to vector<1000xf32>
    %add3A = arith.addf %squeeze3A, %squeeze3A_4 : vector<1000xf32>
    %add3A_5 = arith.constant 1.000000e+00 : f32
    %add3A_6 = vector.broadcast %add3A_5 : f32 to vector<1000xf32>
    %add3A_7 = arith.addf %add3A, %add3A_6 : vector<1000xf32>
    %rsqrt3A = math.rsqrt %add3A_7 : vector<1000xf32>
    %broadcast_in_dim3A = vector.shape_cast %rsqrt3A : vector<1000xf32> to vector<1000x1xf32>
    %swap3A = arith.constant 0 : index
    %swap3A_8 = arith.constant 0 : index
    %swap3A_9 = vector.load %arg4[%swap3A, %swap3A_8] : memref<1000x1xf32, #tpu.memory_space<vmem>>, vector<1000x1xf32>
    tpu.vector_store %arg4[%swap3A, %swap3A_8], %broadcast_in_dim3A {strides = array<i32>} : memref<1000x1xf32, #tpu.memory_space<vmem>>, vector<1000x1xf32>,
    %get3A_10 = arith.constant 0 : index
    %get3A_11 = arith.constant 0 : index
    %get3A_12 = vector.load %arg2[%get3A_10, %get3A_11] : memref<1000x256xf32, #tpu.memory_space<vmem>>, vector<1000x256xf32>
    %mul3A = vector.broadcast %broadcast_in_dim3A : vector<1000x1xf32> to vector<1000x256xf32>
    %mul3A_13 = arith.mulf %get3A_12, %mul3A : vector<1000x256xf32>
    %reshape3A = vector.shape_cast %mul3A_13 : vector<1000x256xf32> to vector<1000x2x128xf32>
    %transpose3A = tpu.transpose %reshape3A, [1, 0, 2] : vector<1000x2x128xf32> -> vector<2x1000x128xf32>
    %swap3A_14 = arith.constant 0 : index
    %swap3A_15 = arith.constant 0 : index
    %swap3A_16 = arith.constant 0 : index
    %swap3A_17 = vector.load %arg3[%swap3A_14, %swap3A_15, %swap3A_16] : memref<2x1000x128xf32, #tpu.memory_space<vmem>>, vector<2x1000x128xf32>
    tpu.vector_store %arg3[%swap3A_14, %swap3A_15, %swap3A_16], %transpose3A {strides = array<i32>} : memref<2x1000x128xf32, #tpu.memory_space<vmem>>, vector<2x1000x128xf32>,
    return
  }
  func.func @transform_0(%arg0: i32) -> (i32, i32, i32) {
    %c0_i32 = arith.constant 0 : i32
    %c0_i32_0 = arith.constant 0 : i32
    %c0_i32_1 = arith.constant 0 : i32
    return %c0_i32, %arg0, %c0_i32_0 : i32, i32, i32
  }
  func.func @transform_1(%arg0: i32) -> (i32, i32) {
    %c0_i32 = arith.constant 0 : i32
    %c0_i32_0 = arith.constant 0 : i32
    return %arg0, %c0_i32 : i32, i32
  }
  func.func @transform_2(%arg0: i32) -> (i32, i32, i32) {
    %c0_i32 = arith.constant 0 : i32
    %c0_i32_0 = arith.constant 0 : i32
    %c0_i32_1 = arith.constant 0 : i32
    return %c0_i32, %arg0, %c0_i32_0 : i32, i32, i32
  }
  func.func @transform_3(%arg0: i32) -> (i32, i32) {
    %c0_i32 = arith.constant 0 : i32
    %c0_i32_0 = arith.constant 0 : i32
    return %arg0, %c0_i32 : i32, i32
  }
}

module attributes {stable_mosaic.version = 14 : i64} {
  func.func @_pass2_body(%arg0: i32, %arg1: memref<2x1000x128xf32, #tpu.memory_space<vmem>>, %arg2: memref<2x1000x128xf32, #tpu.memory_space<vmem>>, %arg3: memref<1000x1xf32, #tpu.memory_space<vmem>>, %arg4: memref<256x512xf32, #tpu.memory_space<vmem>>, %arg5: memref<1x512xf32, #tpu.memory_space<vmem>>, %arg6: memref<512x256xf32, #tpu.memory_space<vmem>>, %arg7: memref<2x1000x128xf32, #tpu.memory_space<vmem>>) attributes {dimension_semantics = [#tpu.dimension_semantics<arbitrary>], iteration_bounds = array<i64: 10>, scalar_prefetch = 0 : i64, scratch_operands = 0 : i64, tpu.core_type = #tpu.core_type<tc>, window_params = [{transform_indices = @transform_0, window_bounds = array<i64: 2, 1000, 128>}, {transform_indices = @transform_1, window_bounds = array<i64: 2, 1000, 128>}, {transform_indices = @transform_2, window_bounds = array<i64: 1000, 1>}, {pipeline_mode = #tpu.pipeline_mode<synchronous>, transform_indices = @transform_3, window_bounds = array<i64: 256, 512>}, {pipeline_mode = #tpu.pipeline_mode<synchronous>, transform_indices = @transform_4, window_bounds = array<i64: 1, 512>}, {pipeline_mode = #tpu.pipeline_mode<synchronous>, transform_indices = @transform_5, window_bounds = array<i64: 512, 256>}, {transform_indices = @transform_6, window_bounds = array<i64: 2, 1000, 128>}]} {
    %get3A = arith.constant 0 : index
    %get3A_0 = arith.constant 0 : index
    %get3A_1 = vector.load %arg3[%get3A, %get3A_0] : memref<1000x1xf32, #tpu.memory_space<vmem>>, vector<1000x1xf32>
    %broadcast_in_dim3A = vector.shape_cast %get3A_1 : vector<1000x1xf32> to vector<1x1000x1xf32>
    %get3A_2 = arith.constant 0 : index
    %get3A_3 = arith.constant 0 : index
    %get3A_4 = arith.constant 0 : index
    %get3A_5 = vector.load %arg1[%get3A_2, %get3A_3, %get3A_4] : memref<2x1000x128xf32, #tpu.memory_space<vmem>>, vector<2x1000x128xf32>
    %get3A_6 = arith.constant 0 : index
    %get3A_7 = arith.constant 0 : index
    %get3A_8 = arith.constant 0 : index
    %get3A_9 = vector.load %arg2[%get3A_6, %get3A_7, %get3A_8] : memref<2x1000x128xf32, #tpu.memory_space<vmem>>, vector<2x1000x128xf32>
    %add3A = arith.addf %get3A_5, %get3A_9 : vector<2x1000x128xf32>
    %mul3A = vector.broadcast %broadcast_in_dim3A : vector<1x1000x1xf32> to vector<2x1000x128xf32>
    %mul3A_10 = arith.mulf %add3A, %mul3A : vector<2x1000x128xf32>
    %slice3A = vector.extract_strided_slice %mul3A_10 {offsets = [0, 0, 0], sizes = [1, 1000, 128], strides = [1, 1, 1]} : vector<2x1000x128xf32> to vector<1x1000x128xf32>
    %squeeze3A = vector.shape_cast %slice3A : vector<1x1000x128xf32> to vector<1000x128xf32>
    %slice3A_11 = vector.extract_strided_slice %mul3A_10 {offsets = [1, 0, 0], sizes = [1, 1000, 128], strides = [1, 1, 1]} : vector<2x1000x128xf32> to vector<1x1000x128xf32>
    %squeeze3A_12 = vector.shape_cast %slice3A_11 : vector<1x1000x128xf32> to vector<1000x128xf32>
    %concatenate3A = tpu.concatenate %squeeze3A, %squeeze3A_12 in 1 : vector<1000x128xf32>, vector<1000x128xf32> -> vector<1000x256xf32>
    %get3A_13 = arith.constant 0 : index
    %get3A_14 = arith.constant 0 : index
    %get3A_15 = vector.load %arg4[%get3A_13, %get3A_14] : memref<256x512xf32, #tpu.memory_space<vmem>>, vector<256x512xf32>
    %dot_general3A = arith.constant dense<0.000000e+00> : vector<1000x512xf32>
    %dot_general3A_16 = tpu.matmul %concatenate3A, %get3A_15, %dot_general3A {dimension_numbers = #tpu.dot_dimension_numbers<[1], [0], [0], [1], [0, 0, 1, 1], [], []>, transpose_lhs_hint = false} : vector<1000x256xf32>, vector<256x512xf32>, vector<1000x512xf32> -> vector<1000x512xf32>
    %get3A_17 = arith.constant 0 : index
    %get3A_18 = arith.constant 0 : index
    %get3A_19 = vector.load %arg5[%get3A_17, %get3A_18] : memref<1x512xf32, #tpu.memory_space<vmem>>, vector<1x512xf32>
    %add3A_20 = vector.broadcast %get3A_19 : vector<1x512xf32> to vector<1000x512xf32>
    %add3A_21 = arith.addf %dot_general3A_16, %add3A_20 : vector<1000x512xf32>
    %max3A = arith.constant 0.000000e+00 : f32
    %max3A_22 = vector.broadcast %max3A : f32 to vector<1000x512xf32>
    %max3A_23 = arith.maximumf %add3A_21, %max3A_22 : vector<1000x512xf32>
    %get3A_24 = arith.constant 0 : index
    %get3A_25 = arith.constant 0 : index
    %get3A_26 = vector.load %arg6[%get3A_24, %get3A_25] : memref<512x256xf32, #tpu.memory_space<vmem>>, vector<512x256xf32>
    %dot_general3A_27 = arith.constant dense<0.000000e+00> : vector<1000x256xf32>
    %dot_general3A_28 = tpu.matmul %max3A_23, %get3A_26, %dot_general3A_27 {dimension_numbers = #tpu.dot_dimension_numbers<[1], [0], [0], [1], [0, 0, 1, 1], [], []>, transpose_lhs_hint = false} : vector<1000x512xf32>, vector<512x256xf32>, vector<1000x256xf32> -> vector<1000x256xf32>
    %mul3A_29 = vector.broadcast %get3A_1 : vector<1000x1xf32> to vector<1000x256xf32>
    %mul3A_30 = arith.mulf %dot_general3A_28, %mul3A_29 : vector<1000x256xf32>
    %reshape3A = vector.shape_cast %mul3A_30 : vector<1000x256xf32> to vector<1000x2x128xf32>
    %transpose3A = tpu.transpose %reshape3A, [1, 0, 2] : vector<1000x2x128xf32> -> vector<2x1000x128xf32>
    %swap3A = arith.constant 0 : index
    %swap3A_31 = arith.constant 0 : index
    %swap3A_32 = arith.constant 0 : index
    %swap3A_33 = vector.load %arg7[%swap3A, %swap3A_31, %swap3A_32] : memref<2x1000x128xf32, #tpu.memory_space<vmem>>, vector<2x1000x128xf32>
    tpu.vector_store %arg7[%swap3A, %swap3A_31, %swap3A_32], %transpose3A {strides = array<i32>} : memref<2x1000x128xf32, #tpu.memory_space<vmem>>, vector<2x1000x128xf32>,
    return
  }
  func.func @transform_0(%arg0: i32) -> (i32, i32, i32) {
    %c0_i32 = arith.constant 0 : i32
    %c0_i32_0 = arith.constant 0 : i32
    %c0_i32_1 = arith.constant 0 : i32
    return %c0_i32, %arg0, %c0_i32_0 : i32, i32, i32
  }
  func.func @transform_1(%arg0: i32) -> (i32, i32, i32) {
    %c0_i32 = arith.constant 0 : i32
    %c0_i32_0 = arith.constant 0 : i32
    %c0_i32_1 = arith.constant 0 : i32
    return %c0_i32, %arg0, %c0_i32_0 : i32, i32, i32
  }
  func.func @transform_2(%arg0: i32) -> (i32, i32) {
    %c0_i32 = arith.constant 0 : i32
    %c0_i32_0 = arith.constant 0 : i32
    return %arg0, %c0_i32 : i32, i32
  }
  func.func @transform_3(%arg0: i32) -> (i32, i32) {
    %c0_i32 = arith.constant 0 : i32
    %c0_i32_0 = arith.constant 0 : i32
    %c0_i32_1 = arith.constant 0 : i32
    return %c0_i32, %c0_i32_0 : i32, i32
  }
  func.func @transform_4(%arg0: i32) -> (i32, i32) {
    %c0_i32 = arith.constant 0 : i32
    %c0_i32_0 = arith.constant 0 : i32
    %c0_i32_1 = arith.constant 0 : i32
    return %c0_i32, %c0_i32_0 : i32, i32
  }
  func.func @transform_5(%arg0: i32) -> (i32, i32) {
    %c0_i32 = arith.constant 0 : i32
    %c0_i32_0 = arith.constant 0 : i32
    %c0_i32_1 = arith.constant 0 : i32
    return %c0_i32, %c0_i32_0 : i32, i32
  }
  func.func @transform_6(%arg0: i32) -> (i32, i32, i32) {
    %c0_i32 = arith.constant 0 : i32
    %c0_i32_0 = arith.constant 0 : i32
    %c0_i32_1 = arith.constant 0 : i32
    return %c0_i32, %arg0, %c0_i32_0 : i32, i32, i32
  }
}

module attributes {stable_mosaic.version = 14 : i64} {
  func.func @_pass3_body(%arg0: i32, %arg1: memref<2x1000x128xf32, #tpu.memory_space<vmem>>, %arg2: memref<2x1000x128xf32, #tpu.memory_space<vmem>>, %arg3: memref<1000x1xf32, #tpu.memory_space<vmem>>, %arg4: memref<1x256xf32, #tpu.memory_space<vmem>>, %arg5: memref<1000x1xi32, #tpu.memory_space<vmem>>, %arg6: memref<1000x256xf32, #tpu.memory_space<vmem>>, %arg7: memref<32x256xf32, #tpu.memory_space<vmem>>) attributes {dimension_semantics = [#tpu.dimension_semantics<arbitrary>], iteration_bounds = array<i64: 10>, scalar_prefetch = 0 : i64, scratch_operands = 0 : i64, tpu.core_type = #tpu.core_type<tc>, window_params = [{transform_indices = @transform_0, window_bounds = array<i64: 2, 1000, 128>}, {transform_indices = @transform_1, window_bounds = array<i64: 2, 1000, 128>}, {transform_indices = @transform_2, window_bounds = array<i64: 1000, 1>}, {pipeline_mode = #tpu.pipeline_mode<synchronous>, transform_indices = @transform_3, window_bounds = array<i64: 1, 256>}, {transform_indices = @transform_4, window_bounds = array<i64: 1000, 1>}, {transform_indices = @transform_5, window_bounds = array<i64: 1000, 256>}, {pipeline_mode = #tpu.pipeline_mode<synchronous>, transform_indices = @transform_6, window_bounds = array<i64: 32, 256>}]} {
    %get3A = arith.constant 0 : index
    %get3A_0 = arith.constant 0 : index
    %get3A_1 = vector.load %arg3[%get3A, %get3A_0] : memref<1000x1xf32, #tpu.memory_space<vmem>>, vector<1000x1xf32>
    %broadcast_in_dim3A = vector.shape_cast %get3A_1 : vector<1000x1xf32> to vector<1x1000x1xf32>
    %get3A_2 = arith.constant 0 : index
    %get3A_3 = arith.constant 0 : index
    %get3A_4 = arith.constant 0 : index
    %get3A_5 = vector.load %arg1[%get3A_2, %get3A_3, %get3A_4] : memref<2x1000x128xf32, #tpu.memory_space<vmem>>, vector<2x1000x128xf32>
    %get3A_6 = arith.constant 0 : index
    %get3A_7 = arith.constant 0 : index
    %get3A_8 = arith.constant 0 : index
    %get3A_9 = vector.load %arg2[%get3A_6, %get3A_7, %get3A_8] : memref<2x1000x128xf32, #tpu.memory_space<vmem>>, vector<2x1000x128xf32>
    %add3A = arith.addf %get3A_5, %get3A_9 : vector<2x1000x128xf32>
    %mul3A = vector.broadcast %broadcast_in_dim3A : vector<1x1000x1xf32> to vector<2x1000x128xf32>
    %mul3A_10 = arith.mulf %add3A, %mul3A : vector<2x1000x128xf32>
    %slice3A = vector.extract_strided_slice %mul3A_10 {offsets = [0, 0, 0], sizes = [1, 1000, 128], strides = [1, 1, 1]} : vector<2x1000x128xf32> to vector<1x1000x128xf32>
    %squeeze3A = vector.shape_cast %slice3A : vector<1x1000x128xf32> to vector<1000x128xf32>
    %slice3A_11 = vector.extract_strided_slice %mul3A_10 {offsets = [1, 0, 0], sizes = [1, 1000, 128], strides = [1, 1, 1]} : vector<2x1000x128xf32> to vector<1x1000x128xf32>
    %squeeze3A_12 = vector.shape_cast %slice3A_11 : vector<1x1000x128xf32> to vector<1000x128xf32>
    %concatenate3A = tpu.concatenate %squeeze3A, %squeeze3A_12 in 1 : vector<1000x128xf32>, vector<1000x128xf32> -> vector<1000x256xf32>
    %get3A_13 = arith.constant 0 : index
    %get3A_14 = arith.constant 0 : index
    %get3A_15 = vector.load %arg4[%get3A_13, %get3A_14] : memref<1x256xf32, #tpu.memory_space<vmem>>, vector<1x256xf32>
    %add3A_16 = vector.broadcast %get3A_15 : vector<1x256xf32> to vector<1000x256xf32>
    %add3A_17 = arith.addf %concatenate3A, %add3A_16 : vector<1000x256xf32>
    %swap3A = arith.constant 0 : index
    %swap3A_18 = arith.constant 0 : index
    %swap3A_19 = vector.load %arg6[%swap3A, %swap3A_18] : memref<1000x256xf32, #tpu.memory_space<vmem>>, vector<1000x256xf32>
    tpu.vector_store %arg6[%swap3A, %swap3A_18], %add3A_17 {strides = array<i32>} : memref<1000x256xf32, #tpu.memory_space<vmem>>, vector<1000x256xf32>,
    %get3A_20 = arith.constant 0 : index
    %get3A_21 = arith.constant 0 : index
    %get3A_22 = vector.load %arg5[%get3A_20, %get3A_21] : memref<1000x1xi32, #tpu.memory_space<vmem>>, vector<1000x1xi32>
    %reshape3A = vector.shape_cast %get3A_22 : vector<1000x1xi32> to vector<1x1000xi32>
    %iota3A = tpu.iota {dimensions = array<i32: 0>} : vector<32x1000xi32>
    %eq3A = vector.broadcast %reshape3A : vector<1x1000xi32> to vector<32x1000xi32>
    %eq3A_23 = arith.cmpi eq, %iota3A, %eq3A : vector<32x1000xi32>
    %convert_element_type3A = arith.extui %eq3A_23 : vector<32x1000xi1> to vector<32x1000xi32>
    %convert_element_type3A_24 = arith.sitofp %convert_element_type3A : vector<32x1000xi32> to vector<32x1000xf32>
    %dot_general3A = arith.constant dense<0.000000e+00> : vector<32x256xf32>
    %dot_general3A_25 = tpu.matmul %convert_element_type3A_24, %add3A_17, %dot_general3A {dimension_numbers = #tpu.dot_dimension_numbers<[1], [0], [0], [1], [0, 0, 1, 1], [], []>, transpose_lhs_hint = false} : vector<32x1000xf32>, vector<1000x256xf32>, vector<32x256xf32> -> vector<32x256xf32>
    %eq3A_26 = arith.constant 0 : i32
    %eq3A_27 = arith.cmpi eq, %arg0, %eq3A_26 : i32
    %convert_element_type3A_28 = arith.extui %eq3A_27 : i1 to i32
    %cond3A = arith.constant 0 : i32
    %cond3A_29 = arith.cmpi ne, %convert_element_type3A_28, %cond3A : i32
    scf.if %cond3A_29 {
      %swap3A_34 = arith.constant 0 : index
      %swap3A_35 = arith.constant 0 : index
      %swap3A_36 = vector.load %arg7[%swap3A_34, %swap3A_35] : memref<32x256xf32, #tpu.memory_space<vmem>>, vector<32x256xf32>
      tpu.vector_store %arg7[%swap3A_34, %swap3A_35], %dot_general3A_25 {strides = array<i32>} : memref<32x256xf32, #tpu.memory_space<vmem>>, vector<32x256xf32>,
    } else {
    }
    %gt3A = arith.constant 0 : i32
    %gt3A_30 = arith.cmpi sgt, %arg0, %gt3A : i32
    %convert_element_type3A_31 = arith.extui %gt3A_30 : i1 to i32
    %cond3A_32 = arith.constant 0 : i32
    %cond3A_33 = arith.cmpi ne, %convert_element_type3A_31, %cond3A_32 : i32
    scf.if %cond3A_33 {
      %get3A_34 = arith.constant 0 : index
      %get3A_35 = arith.constant 0 : index
      %get3A_36 = vector.load %arg7[%get3A_34, %get3A_35] : memref<32x256xf32, #tpu.memory_space<vmem>>, vector<32x256xf32>
      %add3A_37 = arith.addf %get3A_36, %dot_general3A_25 : vector<32x256xf32>
      %swap3A_38 = arith.constant 0 : index
      %swap3A_39 = arith.constant 0 : index
      %swap3A_40 = vector.load %arg7[%swap3A_38, %swap3A_39] : memref<32x256xf32, #tpu.memory_space<vmem>>, vector<32x256xf32>
      tpu.vector_store %arg7[%swap3A_38, %swap3A_39], %add3A_37 {strides = array<i32>} : memref<32x256xf32, #tpu.memory_space<vmem>>, vector<32x256xf32>,
    } else {
    }
    return
  }
  func.func @transform_0(%arg0: i32) -> (i32, i32, i32) {
    %c0_i32 = arith.constant 0 : i32
    %c0_i32_0 = arith.constant 0 : i32
    %c0_i32_1 = arith.constant 0 : i32
    return %c0_i32, %arg0, %c0_i32_0 : i32, i32, i32
  }
  func.func @transform_1(%arg0: i32) -> (i32, i32, i32) {
    %c0_i32 = arith.constant 0 : i32
    %c0_i32_0 = arith.constant 0 : i32
    %c0_i32_1 = arith.constant 0 : i32
    return %c0_i32, %arg0, %c0_i32_0 : i32, i32, i32
  }
  func.func @transform_2(%arg0: i32) -> (i32, i32) {
    %c0_i32 = arith.constant 0 : i32
    %c0_i32_0 = arith.constant 0 : i32
    return %arg0, %c0_i32 : i32, i32
  }
  func.func @transform_3(%arg0: i32) -> (i32, i32) {
    %c0_i32 = arith.constant 0 : i32
    %c0_i32_0 = arith.constant 0 : i32
    %c0_i32_1 = arith.constant 0 : i32
    return %c0_i32, %c0_i32_0 : i32, i32
  }
  func.func @transform_4(%arg0: i32) -> (i32, i32) {
    %c0_i32 = arith.constant 0 : i32
    %c0_i32_0 = arith.constant 0 : i32
    return %arg0, %c0_i32 : i32, i32
  }
  func.func @transform_5(%arg0: i32) -> (i32, i32) {
    %c0_i32 = arith.constant 0 : i32
    %c0_i32_0 = arith.constant 0 : i32
    return %arg0, %c0_i32 : i32, i32
  }
  func.func @transform_6(%arg0: i32) -> (i32, i32) {
    %c0_i32 = arith.constant 0 : i32
    %c0_i32_0 = arith.constant 0 : i32
    %c0_i32_1 = arith.constant 0 : i32
    return %c0_i32, %c0_i32_0 : i32, i32
  }
}

</mosaic_0001>

<sc_bundles>
// kernel: kernel.11.cloned.1.call-start
scs
__scs_entry_jumppad:
0x0: {  	(pc) =	sbr.rel $0x88, $3  }
0x1: {  	(tag) =	ssettag $0x0;
	lr =	simm.s32 $0x1  }
0x2: {  	[smem:$0x3F9A] =	sst lr;
	_ =	strace $0xD0000000  }
0x3: {  	_ = 	snop  }
0x4: {  	_ = 	snop  }
0x5: {  	_ = 	snop  }
0x6: {  	_ = 	snop  }
0x7: {  	_ = 	snop  }
__scs_overlays_trampoline_lowered:
0x8: {  	[smem:$0x3FA9] =	sst s0  }
0x9: {  	[smem:$0x3FAA] =	sst s1  }
0xa: {  	[smem:$0x3FAB] =	sst s2  }
0xb: {  	[smem:$0x3FAC] =	sst s3  }
0xc: {  	[smem:$0x3FAD] =	sst s4  }
0xd: {  	[smem:$0x3FAE] =	sst s5  }
0xe: {  	[smem:$0x3FAF] =	sst s6  }
0xf: {  	[smem:$0x3FB0] =	sst s7  }
0x10: {  	[smem:$0x3FB1] =	sst s8  }
0x11: {  	[smem:$0x3FB2] =	sst s9;
	s0 =	simm.s32 @!p0 $0x0  }
0x12: {  	s1 =	sld [smem:$0x3F98];
	s0 =	simm.s32 @p0 $0x1  }
0x13: {  	[smem:$0x3FB3] =	sst s0;
	s0 =	simm.s32 @!p1 $0x0  }
0x14: {  	s2 =	sld [smem:$0x3F97];
	s0 =	simm.s32 @p1 $0x1  }
0x15: {  	[smem:$0x3FB4] =	sst s0;
	s0 =	simm.s32 @!p2 $0x0  }
0x16: {  	s3 =	sld [smem:$0x3FDB];
	s0 =	simm.s32 @p2 $0x1  }
0x17: {  	s4 =	simm.s32 $0x1BF5;
	[smem:$0x3FB6] =	sst s0  }
0x18: {  	s0 =	sld [smem:$0x3F99];
	_ =	swait.ge [sflag:s4], $0x0  }
0x19: {  	s7 =	sld [smem:$0x3F9A]  }
0x1a: {  	s8 =	sadd.s32 $0xFFFFE003, lr  }
0x1b: {  	s9 =	sadd.s32 $0xFFFFFEF7, lr;
	s5 =	simm.s32 $0xFFFFFFFF;
	p2 =	slt.u32 s8, $0xFFFFF086  }
0x1c: {  	p1 =	slt.u32 s9, $0xF7A;
	s5 =	simm.s32 @!p2 $0x0  }
0x1d: {  	s5 =	simm.s32 @p1 $0x1;
	p0 =	seq.s32 s7, s2  }
0x1e: {  	s7 =	smul.u32 @!p0 $0xF7A, s2;
	p2 =	seq.s32 @!p0 s5, $0x0  }
0x1f: {  	s9 =	smul.u32 $0xF7A, s1;
	s8 =	simm.s32 @!p0 $0x1BF5;
	p2 =	por !p2, p0  }
0x20: {  	[sflag:s8] =	ssyncset.s32 @!p0 $0xFFFFF086;
	s6 =	sadd.s32 @!p0 s3, s7;
	s7 =	simm.s32 @!p0 $0x108  }
0x21: {  	s3 =	sadd.s32 s3, s9;
	s6 =	sadd.s32 @!p0 $0x88, s6;
	s7 =	simm.s32 @p2 $0x1082  }
0x22: {  	[simem:s7], [sflag:s8] =	dma.local @!p0 [hbm:s6], $0xF7A  }
0x23: {  	s9 =	sor.u32 $0xD0000000, s2;
	s6 =	simm.s32 $0x108;
	_ =	swait.ge @!p0 [sflag:s8], $0x0  }
0x24: {  	s3 =	sadd.s32 $0x88, s3;
	s6 =	simm.s32 @!p1 $0x1082;
	[sflag:s4] =	ssyncset.s32 $0xFFFFF086  }
0x25: {  	[simem:s6], [sflag:s4] =	dma.local [hbm:s3], $0xF7A  }
0x26: {  	[smem:$0x3F9A] =	sst s1;
	(tag) =	ssettag s2;
	_ =	strace s9  }
0x27: {  	s1 =	sld [smem:$0x3FAA]  }
0x28: {  	s2 =	sld [smem:$0x3FAB]  }
0x29: {  	s4 =	sld [smem:$0x3FAD]  }
0x2a: {  	p0 =	seq.s32 s5, $0x0;
	s5 =	sld [smem:$0x3FAE]  }
0x2b: {  	s6 =	sld [smem:$0x3FAF]  }
0x2c: {  	s7 =	sld [smem:$0x3FB0]  }
0x2d: {  	s3 =	simm.s32 $0x108;
	s8 =	sld [smem:$0x3FB1]  }
0x2e: {  	s3 =	simm.s32 @!p0 $0x1082;
	s9 =	sld [smem:$0x3FB2]  }
0x2f: {  	lr =	sadd.s32 s0, s3;
	s0 =	sld [smem:$0x3FA9]  }
0x30: {  	s3 =	sld [smem:$0x3FAC]  }
0x31: {  	[smem:$0x3FB5] =	sst s10  }
0x32: {  	s10 =	sld [smem:$0x3FB3];
	_ =	sdelay $0x3  }
0x33: {  	p0 =	seq.s32 s10, $0x1;
	s10 =	sld [smem:$0x3FB5];
	_ =	sdelay $0x3  }
0x34: {  	[smem:$0x3FB5] =	sst s10  }
0x35: {  	s10 =	sld [smem:$0x3FB4];
	_ =	sdelay $0x3  }
0x36: {  	p1 =	seq.s32 s10, $0x1;
	s10 =	sld [smem:$0x3FB5];
	_ =	sdelay $0x3  }
0x37: {  	[smem:$0x3FB5] =	sst s10  }
0x38: {  	s10 =	sld [smem:$0x3FB6]  }
0x39: {  	_ = 	snop;
	(pc) =	sbr.ind lr, $3  }
0x3a: {  	_ = 	snop  }
0x3b: {  	_ = 	snop  }
0x3c: {  	p2 =	seq.s32 s10, $0x1;
	s10 =	sld [smem:$0x3FB5]  }
0x3d: {  	_ =	shalt  }
0x3e: {  	_ =	shalt  }
0x3f: {  	_ =	shalt  }
0x40: {  	_ =	shalt  }
0x41: {  	_ =	shalt  }
0x42: {  	_ =	shalt  }
0x43: {  	_ =	shalt  }
0x44: {  	_ =	shalt  }
0x45: {  	_ =	shalt  }
0x46: {  	_ =	shalt  }
0x47: {  	_ =	shalt  }
0x48: {  	_ =	shalt  }
0x49: {  	_ =	shalt  }
0x4a: {  	_ =	shalt  }
0x4b: {  	_ =	shalt  }
0x4c: {  	_ =	shalt  }
0x4d: {  	_ =	shalt  }
0x4e: {  	_ =	shalt  }
0x4f: {  	_ =	shalt  }
0x50: {  	_ =	shalt  }
0x51: {  	_ =	shalt  }
0x52: {  	_ =	shalt  }
0x53: {  	_ =	shalt  }
0x54: {  	_ =	shalt  }
0x55: {  	_ =	shalt  }
0x56: {  	_ =	shalt  }
0x57: {  	_ =	shalt  }
0x58: {  	_ =	shalt  }
0x59: {  	_ =	shalt  }
0x5a: {  	_ =	shalt  }
0x5b: {  	_ =	shalt  }
0x5c: {  	_ =	shalt  }
0x5d: {  	_ =	shalt  }
0x5e: {  	_ =	shalt  }
0x5f: {  	_ =	shalt  }
0x60: {  	_ =	shalt  }
0x61: {  	_ =	shalt  }
0x62: {  	_ =	shalt  }
0x63: {  	_ =	shalt  }
0x64: {  	_ =	shalt  }
0x65: {  	_ =	shalt  }
0x66: {  	_ =	shalt  }
0x67: {  	_ =	shalt  }
0x68: {  	_ =	shalt  }
0x69: {  	_ =	shalt  }
0x6a: {  	_ =	shalt  }
0x6b: {  	_ =	shalt  }
0x6c: {  	_ =	shalt  }
0x6d: {  	_ =	shalt  }
0x6e: {  	_ =	shalt  }
0x6f: {  	_ =	shalt  }
0x70: {  	_ =	shalt  }
0x71: {  	_ =	shalt  }
0x72: {  	_ =	shalt  }
0x73: {  	_ =	shalt  }
0x74: {  	_ =	shalt  }
0x75: {  	_ =	shalt  }
0x76: {  	_ =	shalt  }
0x77: {  	_ =	shalt  }
0x78: {  	_ =	shalt  }
0x79: {  	_ =	shalt  }
0x7a: {  	_ =	shalt  }
0x7b: {  	_ =	shalt  }
0x7c: {  	_ =	shalt  }
0x7d: {  	_ =	shalt  }
0x7e: {  	_ =	shalt  }
0x7f: {  	_ =	shalt  }
0x80: {  	_ =	shalt  }
0x81: {  	_ =	shalt  }
0x82: {  	_ =	shalt  }
0x83: {  	_ =	shalt  }
0x84: {  	_ =	shalt  }
0x85: {  	_ =	shalt  }
0x86: {  	_ =	shalt  }
0x87: {  	_ =	shalt  }
.Lfunc_end0:
.L_simem_size_0:
called_computation.1_lowered:
.L_overlay_start_0:
0x88: {  	s2 =	sld [smem:$0x3FD9]  }
0x89: {  	s3 =	sld [smem:$0x3FFE];
	_ =	sdelay $0x1  }
0x8a: {  	s1 =	srdreg.scid  }
0x8b: {  	s0 =	sand.u32 $0x1, s1  }
0x8c: {  	s14 =	sshll.u32 s0, $0xA;
	s2 =	sadd.s32 s3, s2  }
0x8d: {  	s2 =	sadd.s32 s2, s14  }
0x8e: {  	[smem:$0x3FC1] =	sst s2  }
0x8f: {  	_ = 	snop  }
0x90: {  	s2 =	sld [smem:$0x3FD0];
	_ =	sdelay $0x2  }
0x91: {  	s15 =	simm.s32 $0xA;
	s4 =	simm.s32 $0x10  }
0x92: {  	[smem:s4], [sflag:s15] =	dma.local [hbm:s2], $0x1  }
0x93: {  	_ =	swait.eq [sflag:s15], $0x1  }
0x94: {  	[sflag:s15] =	ssyncset.done $0x0  }
0x95: {  	[sflag:s15] =	ssyncadd.s32 $0xFFFFFFFF  }
0x96: {  	s16 =	sld [smem:$0x10];
	(tm) =	ssettm $0x1  }
0x97: {  	s17 =	sld [smem:$0x3FFB];
	_ =	sdelay $0x3  }
0x98: {  	_ =	strace s17  }
0x99: {  	s3 =	sld [smem:$0x3FFC];
	_ =	sdelay $0x3  }
0x9a: {  	_ =	strace s3  }
0x9b: {  	s3 =	sld [smem:$0x3FFD];
	_ =	sdelay $0x3  }
0x9c: {  	_ =	strace s3  }
0x9d: {  	_ =	strace $0x8FFFFFFF  }
0x9e: {  	s18 =	sld [smem:$0x3FDB];
	_ =	sdelay $0x1  }
0x9f: {  	s19 =	simm.s32 $_scs_section_size  }
0xa0: {  	s5 =	simm.s32 $_size__tile_overlayer_lowered;
	s6 =	simm.s32 $_tile_overlayer_lowered  }
0xa1: {  	s22 =	simm.s32 $0x1BFF;
	s21 =	sshll.u32 s6, $0x1;
	s3 =	sadd.s32 s19, s18  }
0xa2: {  	s7 =	simm.s32 $0x0;
	s20 =	sshll.u32 s5, $0x1;
	s5 =	sadd.s32 s21, s3  }
0xa3: {  	[timem:s7], [sflag:s22] =	dma.local [hbm:s5], s20  }
0xa4: {  	_ =	swait.ge [sflag:s22], s20  }
0xa5: {  	s4 =	ssub.s32 $0x0, s20;
	[sflag:s22] =	ssyncset.done $0x0  }
0xa6: {  	[sflag:s22] =	ssyncadd.s32 s4;
	_ =	sdelay $0x1  }
0xa7: {  	s23 =	simm.s32 $0x1B8B  }
0xa8: {  	_ =	swait.ge [sflag:s23], $0x1  }
0xa9: {  	[sflag:s23] =	ssyncset.done $0x0  }
0xaa: {  	s25 =	simm.s32 $0x1B8E;
	s24 =	sld [smem:$0x3FFE];
	[sflag:s23] =	ssyncadd.s32 $0xFFFFFFFF  }
0xab: {  	s26 =	simm.s32 $execute0_lowered;
	[smem:$0x3FD2] =	sst s25  }
0xac: {  	s5 =	sshll.u32 s26, $0x1;
	_ =	strace $0x80000049;
	[dreg:$0x1] =	wrdreg $0xFFFFFFFF  }
0xad: {  	s28 =	simm.s32 $_size_execute0_lowered;
	s3 =	sadd.s32 s3, s5;
	[dreg:$0x0] =	wrdreg $0x0  }
0xae: {  	s5 =	sshll.u32 s28, $0x1;
	[dreg:$0x2] =	wrdreg s3  }
0xaf: {  	[dreg:$0x3] =	wrdreg s5  }
0xb0: {  	[dreg:$0x4] =	wrdreg $0xC0  }
0xb1: {  	_ =	task [dreg:s7], $0x5FFFF  }
0xb2: {  	[dreg:$0x1] =	wrdreg $0xFFFFFFFF  }
0xb3: {  	[dreg:$0x0] =	wrdreg $0x60  }
0xb4: {  	[dreg:$0x2] =	wrdreg s16  }
0xb5: {  	[dreg:$0x3] =	wrdreg s24  }
0xb6: {  	[dreg:$0x4] =	wrdreg $0x52000  }
0xb7: {  	[dreg:$0x5] =	wrdreg $0x9  }
0xb8: {  	_ =	task.clear_ibuf [dreg:s7], $0x6FFFF;
	_ =	strace $0x90000049  }
0xb9: {  	s29 =	simm.s32 $0x9;
	_ =	strace $0x8000004B  }
0xba: {  	_ =	swait.ge [sflag:s29], $0x1  }
0xbb: {  	[sflag:s29] =	ssyncadd.s32 $0xFFFFFFFF  }
0xbc: {  	_ =	strace $0x9000004B  }
0xbd: {  	_ =	sfence  }
0xbe: {  	s30 =	sld [smem:$0x0];
	_ =	sdelay $0x2  }
0xbf: {  	s31 =	sshll.u32 s1, $0xD;
	s1 =	sshrl.u32 s1, $0x2  }
0xc0: {  	s3 =	sand.u32 $0x4000, s31;
	s1 =	sadd.s32 s1, s30  }
0xc1: {  	s0 =	sor.u32 s3, s0;
	s1 =	sshll.u32 s1, $0x11  }
0xc2: {  	s0 =	sor.u32 s1, s0  }
0xc3: {  	s0 =	sadd.s32 $0x8F2B, s0  }
0xc4: {  	[sflag:s0] =	ssyncadd.remote.s32 $0x1  }
0xc5: {  	_ =	sfence.sel $0xFFFF  }
0xc6: {  	[dreg:$0x0] =	wrdreg $0xFFFFFFFF;
	(pc) =	sbr.abs _section_cstart, $3  }
0xc7: {  	[dreg:$0x1] =	wrdreg $0xFFFFFFFF  }
0xc8: {  	_ =	task.clear_ibuf [dreg:s7], $0x2FFFF;
	_ =	strace $0x9FFFFFFF  }
0xc9: {  	(tm) =	ssettm $0x7FFFFFFF  }
tec
execute0_lowered:
.L_overlay_start_1:
0x0: {  	(tag) =	ssettag $0x1  }
0x1: {  	s1 =	rddreg [dreg:$0x0]  }
0x2: {  	s7 =	rddreg [dreg:$0x1]  }
0x3: {  	s3 =	rddreg [dreg:$0x2]  }
0x4: {  	s0 =	rddreg [dreg:$0x3];
	s4 =	simm.s32 $0x0  }
0x5: {  	s2 =	stileid.u32;
	s6 =	srdreg.scid;
	s19 =	simm.s32 $0x50  }
0x6: {  	s20 =	simm.s32 $0x100;
	s21 =	simm.s32 $0x2900;
	s22 =	simm.s32 $0x2980  }
0x7: {  	s23 =	simm.s32 $0x2A00;
	s25 =	simm.s32 $0x2;
	s5 =	smul.u32 $0x2700, s2  }
0x8: {  	s26 =	simm.s32 $0x0;
	[smem:$0x7FF] =	sst s4;
	s11 =	smul.u32 $0x4E000, s2  }
0x9: {  	s6 =	sand.u32 $0x1, s6;
	s13 =	sadd.s32 $0x1600, s7;
	s15 =	smul.u32 $0x2710, s2  }
0xa: {  	s12 =	sadd.s32 $0x6600, s7;
	s18 =	sadd.s32 $0x124800, s3;
	s31 =	smul.u32 $0x4E2, s2  }
0xb: {  	p0 =	seq.s32 s2, $0xF;
	_ =	strace $0x8000004A;
	s8 =	smul.u32 $0x27100, s6  }
0xc: {  	s10 =	ssub.s32 $0x2, s6;
	s24 =	smul.u32 $0x2710, s6;
	s9 =	sadd.s32 s5, s7  }
0xd: {  	s28 =	sshrl.u32 s10, $0x1;
	s29 =	sshrl.u32 s11, $0x2;
	s30 =	sshrl.u32 s15, $0x3  }
0xe: {  	s15 =	sshll.u32 @!p0 s2, $0x6;
	s14 =	sadd.s32 s8, s7;
	s16 =	ssub.s32 s10, s28  }
0xf: {  	s17 =	sadd.s32 s29, s3;
	s6 =	sadd.s32 $0xB600, s9;
	s7 =	sadd.s32 $0x2FF00, s7  }
0x10: {  	s8 =	sadd.s32 s13, s30;
	s9 =	sadd.s32 s12, s30;
	s12 =	sadd.s32 s31, s12  }
0x11: {  	s13 =	sadd.s32 s31, s13;
	s15 =	sor.u32 @!p0 $0x1C03, s15;
	v0 =	vmov s24;
	s24 =	simm.s32 $0x1  }
0x12: {  	s10 =	sadd.s32 $0x32800, s14;
	s11 =	smax.u32 s16, $0x1;
	s14 =	sshrl.u32 @p0 s18, $0x3  }
0x13: {  	s16 =	sshrl.u32 @!p0 s17, $0x3;
	s17 =	simm.s32 $0x3;
	s18 =	simm.s32 $0x80  }
.LBB2_1:
0x14: {  	s28 =	simm.s32 @p0 $0x1FC3  }
0x15: {  	[spmem:s14], [sflag:s28] =	dma.local @p0 [hbm:s7], $0x2800  }
0x16: {  	s28 =	simm.s32 @p0 $0x3  }
0x17: {  	_ =	swait.ge @p0 [sflag:s28], $0x2800  }
0x18: {  	[sflag:s28] =	ssyncset.done @p0 $0x0  }
0x19: {  	[sflag:s28] =	ssyncadd.s32 @p0 $0xFFFFD800;
	s28 =	simm.s32 @!p0 $0x3  }
0x1a: {  	[spmem:s16], [sflag:s15] =	dma.local @!p0 [hbm:s6], $0x2700  }
0x1b: {  	_ =	swait.ge @!p0 [sflag:s28], $0x2700  }
0x1c: {  	[sflag:s28] =	ssyncset.done @!p0 $0x0  }
0x1d: {  	[sflag:s28] =	ssyncadd.s32 @!p0 $0xFFFFD900  }
0x1e: {  	[bflag:$0x0] =	sbarrier.arrive $0xFFFF  }
0x1f: {  	[tilespmem:s4], [sflag:$0x3] =	stream.linear.gather [hbm4b:s8+s4], $0x50, $0x38;
	[tilespmem:$0x18A80] =	vst v63  }
0x20: {  	_ =	swait.ge [sflag:s17], $0x50  }
0x21: {  	[sflag:s17] =	ssyncset.done $0x0  }
0x22: {  	[sflag:s17] =	ssyncadd.s32 $0xFFFFFFB0  }
0x23: {  	[tilespmem:s18], [sflag:$0x3] =	stream.linear.gather [hbm4b:s9+s4], $0x50, $0x38;
	[tilespmem:$0x18A80] =	vst v63  }
0x24: {  	_ =	swait.ge [sflag:s17], $0x50  }
0x25: {  	[sflag:s17] =	ssyncset.done $0x0  }
0x26: {  	[sflag:s17] =	ssyncadd.s32 $0xFFFFFFB0  }
0x27: {  	v1 =	vld [tilespmem:$0x0]  }
0x28: {  	v2 =	vld [tilespmem:$0x10]  }
0x29: {  	v3 =	vld [tilespmem:$0x20]  }
0x2a: {  	v4 =	vld [tilespmem:$0x30]  }
0x2b: {  	v5 =	vld [tilespmem:$0x40]  }
0x2c: {  	v1 =	vadd.s32 v0, v1  }
0x2d: {  	[tilespmem:$0x0] =	vst v1;
	v1 =	vadd.s32 v0, v2  }
0x2e: {  	[tilespmem:$0x10] =	vst v1;
	v1 =	vadd.s32 v0, v3  }
0x2f: {  	[tilespmem:$0x20] =	vst v1;
	v1 =	vadd.s32 v0, v4  }
0x30: {  	[tilespmem:$0x30] =	vst v1;
	v1 =	vadd.s32 v0, v5  }
0x31: {  	s28 =	sadd.s32 $0xFFFFFB28, s13;
	[tilespmem:$0x40] =	vst v1  }
0x32: {  	[tilespmem:s20], [sflag:$0x1] =	stream.indirect.gather [hbm4b:s1+s19], $0x80, s4, s19, $0xb8;
	[tilespmem:$0x18A80] =	vst v63  }
0x33: {  	s29 =	sadd.s32 $0x4E2, s28  }
0x34: {  	[tilespmem:s21], [sflag:$0x3] =	stream.linear.gather [hbm4b:s29+s4], $0x50, $0x38;
	[tilespmem:$0x18A80] =	vst v63  }
0x35: {  	_ =	swait.ge [sflag:s17], $0x50  }
0x36: {  	s31 =	sadd.s32 $0xFFFFFB28, s12;
	[sflag:s17] =	ssyncset.done $0x0  }
0x37: {  	s30 =	sadd.s32 $0x4E2, s31;
	[sflag:s17] =	ssyncadd.s32 $0xFFFFFFB0  }
0x38: {  	[tilespmem:s22], [sflag:$0x3] =	stream.linear.gather [hbm4b:s30+s4], $0x50, $0x38;
	[tilespmem:$0x18A80] =	vst v63  }
0x39: {  	_ =	swait.ge [sflag:s17], $0x50  }
0x3a: {  	[sflag:s17] =	ssyncset.done $0x0  }
0x3b: {  	[sflag:s17] =	ssyncadd.s32 $0xFFFFFFB0  }
0x3c: {  	v1 =	vld [tilespmem:$0x2940]  }
0x3d: {  	v2 =	vld [tilespmem:$0x2920]  }
0x3e: {  	v3 =	vld [tilespmem:$0x2910]  }
0x3f: {  	v60 =	vld [tilespmem:$0x2900]  }
0x40: {  	v61 =	vld [tilespmem:$0x2930]  }
0x41: {  	v1 =	vadd.s32 v0, v1  }
0x42: {  	v2 =	vadd.s32 v0, v2;
	[tilespmem:$0x2940] =	vst v1  }
0x43: {  	v1 =	vadd.s32 v0, v3;
	[tilespmem:$0x2920] =	vst v2  }
0x44: {  	v2 =	vadd.s32 v0, v60;
	[tilespmem:$0x2910] =	vst v1  }
0x45: {  	[tilespmem:$0x2900] =	vst v2;
	v1 =	vadd.s32 v0, v61  }
0x46: {  	[tilespmem:$0x2930] =	vst v1  }
0x47: {  	[tilespmem:s23], [sflag:$0x2] =	stream.indirect.gather [hbm4b:s1+s19], $0x80, s21, s19, $0xb8;
	[tilespmem:$0x18A80] =	vst v63  }
0x48: {  	_ =	swait.ge [sflag:s24], $0x2800  }
0x49: {  	[sflag:s24] =	ssyncset.done $0x0  }
0x4a: {  	[sflag:s24] =	ssyncadd.s32 $0xFFFFD800  }
0x4b: {  	[spmem:s3] =	stream.indirect.scatter.add.f32 [tilespmem:s20], [sflag:$0x3], $0x80, s18, s19, $0xb8;
	[tilespmem:$0x18A80] =	vst v63  }
0x4c: {  	_ =	swait.ge [sflag:s17], $0x2800  }
0x4d: {  	[sflag:s17] =	ssyncset.done $0x0  }
0x4e: {  	s28 =	sadd.s32 $0x4EC, s28;
	[sflag:s17] =	ssyncadd.s32 $0xFFFFD800  }
0x4f: {  	[tilespmem:s4], [sflag:$0x3] =	stream.linear.gather [hbm4b:s28+s4], $0x50, $0x38;
	[tilespmem:$0x18A80] =	vst v63  }
0x50: {  	_ =	swait.ge [sflag:s17], $0x50  }
0x51: {  	[sflag:s17] =	ssyncset.done $0x0  }
0x52: {  	s28 =	sadd.s32 $0x4EC, s31;
	[sflag:s17] =	ssyncadd.s32 $0xFFFFFFB0  }
0x53: {  	[tilespmem:s18], [sflag:$0x3] =	stream.linear.gather [hbm4b:s28+s4], $0x50, $0x38;
	[tilespmem:$0x18A80] =	vst v63  }
0x54: {  	_ =	swait.ge [sflag:s17], $0x50  }
0x55: {  	[sflag:s17] =	ssyncset.done $0x0  }
0x56: {  	[sflag:s17] =	ssyncadd.s32 $0xFFFFFFB0  }
0x57: {  	v1 =	vld [tilespmem:$0x40]  }
0x58: {  	v2 =	vld [tilespmem:$0x30]  }
0x59: {  	v3 =	vld [tilespmem:$0x10]  }
0x5a: {  	v62 =	vld [tilespmem:$0x0]  }
0x5b: {  	v63 =	vld [tilespmem:$0x20]  }
0x5c: {  	v1 =	vadd.s32 v0, v1  }
0x5d: {  	v2 =	vadd.s32 v0, v2;
	[tilespmem:$0x40] =	vst v1  }
0x5e: {  	v1 =	vadd.s32 v0, v3;
	[tilespmem:$0x30] =	vst v2  }
0x5f: {  	v2 =	vadd.s32 v0, v62;
	[tilespmem:$0x10] =	vst v1  }
0x60: {  	s28 =	simm.s32 $0xFFFFFB3C;
	[tilespmem:$0x0] =	vst v2;
	v1 =	vadd.s32 v0, v63  }
.LBB2_2:
0x61: {  	p1 =	sne.s32 s28, $0xFFFFFFEC;
	[tilespmem:$0x20] =	vst v1;
	s30 =	smov.u32 s28;
	s28 =	sadd.s32 $0x14, s28  }
0x62: {  	[tilespmem:s20], [sflag:$0x1] =	stream.indirect.gather [hbm4b:s1+s19], $0x80, s4, s19, $0xb8;
	[tilespmem:$0x18A80] =	vst v63  }
0x63: {  	_ =	swait.ge [sflag:s25], $0x2800  }
0x64: {  	[sflag:s25] =	ssyncset.done $0x0  }
0x65: {  	[sflag:s25] =	ssyncadd.s32 $0xFFFFD800  }
0x66: {  	[spmem:s3] =	stream.indirect.scatter.add.f32 [tilespmem:s23], [sflag:$0x3], $0x80, s22, s19, $0xb8;
	[tilespmem:$0x18A80] =	vst v63  }
0x67: {  	_ =	swait.ge [sflag:s17], $0x2800  }
0x68: {  	s29 =	sadd.s32 s30, s13;
	[sflag:s17] =	ssyncset.done $0x0  }
0x69: {  	s31 =	sadd.s32 $0x4E2, s29;
	[sflag:s17] =	ssyncadd.s32 $0xFFFFD800  }
0x6a: {  	[tilespmem:s21], [sflag:$0x3] =	stream.linear.gather [hbm4b:s31+s4], $0x50, $0x38;
	[tilespmem:$0x18A80] =	vst v63  }
0x6b: {  	_ =	swait.ge [sflag:s17], $0x50  }
0x6c: {  	s30 =	sadd.s32 s30, s12;
	[sflag:s17] =	ssyncset.done $0x0  }
0x6d: {  	s31 =	sadd.s32 $0x4E2, s30;
	[sflag:s17] =	ssyncadd.s32 $0xFFFFFFB0  }
0x6e: {  	[tilespmem:s22], [sflag:$0x3] =	stream.linear.gather [hbm4b:s31+s4], $0x50, $0x38;
	[tilespmem:$0x18A80] =	vst v63  }
0x6f: {  	_ =	swait.ge [sflag:s17], $0x50  }
0x70: {  	[sflag:s17] =	ssyncset.done $0x0  }
0x71: {  	[sflag:s17] =	ssyncadd.s32 $0xFFFFFFB0  }
0x72: {  	v1 =	vld [tilespmem:$0x2940]  }
0x73: {  	v2 =	vld [tilespmem:$0x2920]  }
0x74: {  	v3 =	vld [tilespmem:$0x2910]  }
0x75: {  	v4 =	vld [tilespmem:$0x2900]  }
0x76: {  	v5 =	vld [tilespmem:$0x2930]  }
0x77: {  	v1 =	vadd.s32 v0, v1  }
0x78: {  	v2 =	vadd.s32 v0, v2;
	[tilespmem:$0x2940] =	vst v1  }
0x79: {  	v1 =	vadd.s32 v0, v3;
	[tilespmem:$0x2920] =	vst v2  }
0x7a: {  	v2 =	vadd.s32 v0, v4;
	[tilespmem:$0x2910] =	vst v1  }
0x7b: {  	[tilespmem:$0x2900] =	vst v2;
	v1 =	vadd.s32 v0, v5  }
0x7c: {  	[tilespmem:$0x2930] =	vst v1  }
0x7d: {  	[tilespmem:s23], [sflag:$0x2] =	stream.indirect.gather [hbm4b:s1+s19], $0x80, s21, s19, $0xb8;
	[tilespmem:$0x18A80] =	vst v63  }
0x7e: {  	_ =	swait.ge [sflag:s24], $0x2800  }
0x7f: {  	[sflag:s24] =	ssyncset.done $0x0  }
0x80: {  	[sflag:s24] =	ssyncadd.s32 $0xFFFFD800  }
0x81: {  	[spmem:s3] =	stream.indirect.scatter.add.f32 [tilespmem:s20], [sflag:$0x3], $0x80, s18, s19, $0xb8;
	[tilespmem:$0x18A80] =	vst v63  }
0x82: {  	_ =	swait.ge [sflag:s17], $0x2800  }
0x83: {  	[sflag:s17] =	ssyncset.done $0x0  }
0x84: {  	s29 =	sadd.s32 $0x4EC, s29;
	[sflag:s17] =	ssyncadd.s32 $0xFFFFD800  }
0x85: {  	[tilespmem:s4], [sflag:$0x3] =	stream.linear.gather [hbm4b:s29+s4], $0x50, $0x38;
	[tilespmem:$0x18A80] =	vst v63  }
0x86: {  	_ =	swait.ge [sflag:s17], $0x50  }
0x87: {  	[sflag:s17] =	ssyncset.done $0x0  }
0x88: {  	s29 =	sadd.s32 $0x4EC, s30;
	[sflag:s17] =	ssyncadd.s32 $0xFFFFFFB0  }
0x89: {  	[tilespmem:s18], [sflag:$0x3] =	stream.linear.gather [hbm4b:s29+s4], $0x50, $0x38;
	[tilespmem:$0x18A80] =	vst v63  }
0x8a: {  	_ =	swait.ge [sflag:s17], $0x50  }
0x8b: {  	[sflag:s17] =	ssyncset.done $0x0  }
0x8c: {  	[sflag:s17] =	ssyncadd.s32 $0xFFFFFFB0  }
0x8d: {  	v1 =	vld [tilespmem:$0x40]  }
0x8e: {  	v2 =	vld [tilespmem:$0x30]  }
0x8f: {  	v3 =	vld [tilespmem:$0x10]  }
0x90: {  	v4 =	vld [tilespmem:$0x0]  }
0x91: {  	v5 =	vld [tilespmem:$0x20]  }
.Ltmp0:
0x92: {  	v1 =	vadd.s32 v0, v1;
	(pc) =	sbr.rel @p1 .LBB2_2-.Ltmp0, $4  }
0x93: {  	v2 =	vadd.s32 v0, v2;
	[tilespmem:$0x40] =	vst v1  }
0x94: {  	v1 =	vadd.s32 v0, v3;
	[tilespmem:$0x30] =	vst v2  }
0x95: {  	v2 =	vadd.s32 v0, v4;
	[tilespmem:$0x10] =	vst v1  }
0x96: {  	[tilespmem:$0x0] =	vst v2;
	v1 =	vadd.s32 v0, v5  }
0x97: {  	[tilespmem:$0x20] =	vst v1  }
0x98: {  	[tilespmem:s20], [sflag:$0x1] =	stream.indirect.gather [hbm4b:s1+s19], $0x80, s4, s19, $0xb8;
	[tilespmem:$0x18A80] =	vst v63  }
0x99: {  	_ =	swait.ge [sflag:s25], $0x2800  }
0x9a: {  	[sflag:s25] =	ssyncset.done $0x0  }
0x9b: {  	[sflag:s25] =	ssyncadd.s32 $0xFFFFD800  }
0x9c: {  	[spmem:s3] =	stream.indirect.scatter.add.f32 [tilespmem:s23], [sflag:$0x3], $0x80, s22, s19, $0xb8;
	[tilespmem:$0x18A80] =	vst v63  }
0x9d: {  	_ =	swait.ge [sflag:s17], $0x2800  }
0x9e: {  	[sflag:s17] =	ssyncset.done $0x0  }
0x9f: {  	[sflag:s17] =	ssyncadd.s32 $0xFFFFD800  }
0xa0: {  	_ =	swait.ge [sflag:s24], $0x2800  }
0xa1: {  	[sflag:s24] =	ssyncset.done $0x0  }
0xa2: {  	[sflag:s24] =	ssyncadd.s32 $0xFFFFD800  }
0xa3: {  	[spmem:s3] =	stream.indirect.scatter.add.f32 [tilespmem:s20], [sflag:$0x3], $0x80, s18, s19, $0xb8;
	[tilespmem:$0x18A80] =	vst v63  }
0xa4: {  	_ =	swait.ge [sflag:s17], $0x2800  }
0xa5: {  	[sflag:s17] =	ssyncset.done $0x0  }
0xa6: {  	[sflag:s17] =	ssyncadd.s32 $0xFFFFD800  }
0xa7: {  	s28 =	sadd.s32 @p0 $0x24900, s10;
	s29 =	simm.s32 @p0 $0x1FC3;
	[bflag:$0x0] =	sbarrier.arrive $0xFFFF  }
0xa8: {  	[hbm:s28], [sflag:s29] =	dma.local @p0 [spmem:s14], $0x2800  }
0xa9: {  	s28 =	simm.s32 @p0 $0x3  }
0xaa: {  	_ =	swait.ge @p0 [sflag:s28], $0x2800  }
0xab: {  	s26 =	sadd.s32 $0x1, s26;
	[sflag:s28] =	ssyncset.done @p0 $0x0  }
0xac: {  	p1 =	sne.s32 s26, s11;
	[sflag:s28] =	ssyncadd.s32 @p0 $0xFFFFD800;
	s28 =	sadd.s32 @!p0 s5, s10  }
0xad: {  	[hbm:s28], [sflag:s15] =	dma.local @!p0 [spmem:s16], $0x2700  }
.Ltmp1:
0xae: {  	_ = 	snop;
	(pc) =	sbr.rel @p1 .LBB2_1-.Ltmp1, $4  }
0xaf: {  	s28 =	simm.s32 @!p0 $0x3  }
0xb0: {  	_ =	swait.ge @!p0 [sflag:s28], $0x2700  }
0xb1: {  	[sflag:s28] =	ssyncset.done @!p0 $0x0  }
0xb2: {  	[sflag:s28] =	ssyncadd.s32 @!p0 $0xFFFFD900  }
0xb3: {  	_ =	sfence.sel $0x180000  }
0xb4: {  	[bflag:$0x0] =	sbarrier.arrive $0xFFFF  }
0xb5: {  	p0 =	sne.s32 s2, $0x0;
	_ =	strace $0x9000004A  }
0xb6: {  	s0 =	sadd.s32 @!p0 $0x100000, s0;
	[bflag:$0x2] =	sbarrier.arrive $0xFFFF  }
0xb7: {  	[sflag:s0] =	ssyncadd.tile.s32 @!p0 $0x1;
	_ =	shalt  }
.Lfunc_end2:
_tile_overlayer_lowered:
.L_overlay_start_2:
0xb8: {  	(tag) =	ssettag $0x2  }
0xb9: {  	s0 =	rddreg [dreg:$0x0];
	s2 =	stileid.u32  }
0xba: {  	s1 =	rddreg [dreg:$0x1];
	p0 =	sne.s32 s2, $0x0  }
0xbb: {  	s3 =	rddreg [dreg:$0x2];
	[bflag:$0x3] =	sbarrier.arrive $0xFFFF;
	s2 =	simm.s32 @!p0 $0x1C03  }
0xbc: {  	[timem:s3], [sflag:s2] =	dma.local @!p0 [hbm:s0], s1  }
0xbd: {  	s0 =	simm.s32 @!p0 $0x3  }
0xbe: {  	_ =	swait.ge @!p0 [sflag:s0], s1  }
0xbf: {  	s1 =	ssub.s32 @!p0 $0x0, s1;
	[sflag:s0] =	ssyncset.done @!p0 $0x0  }
0xc0: {  	[sflag:s0] =	ssyncadd.s32 @!p0 s1  }
0xc1: {  	[bflag:$0x3] =	sbarrier.arrive $0xFFFF  }
0xc2: {  	_ =	shalt  }

// kernel: kernel.14.cloned.1.call-start
scs
__scs_entry_jumppad:
0x0: {  	(pc) =	sbr.rel $0x88, $3  }
0x1: {  	(tag) =	ssettag $0x0;
	lr =	simm.s32 $0x1  }
0x2: {  	[smem:$0x3F9A] =	sst lr;
	_ =	strace $0xD0000000  }
0x3: {  	_ = 	snop  }
0x4: {  	_ = 	snop  }
0x5: {  	_ = 	snop  }
0x6: {  	_ = 	snop  }
0x7: {  	_ = 	snop  }
__scs_overlays_trampoline_lowered:
0x8: {  	[smem:$0x3FA9] =	sst s0  }
0x9: {  	[smem:$0x3FAA] =	sst s1  }
0xa: {  	[smem:$0x3FAB] =	sst s2  }
0xb: {  	[smem:$0x3FAC] =	sst s3  }
0xc: {  	[smem:$0x3FAD] =	sst s4  }
0xd: {  	[smem:$0x3FAE] =	sst s5  }
0xe: {  	[smem:$0x3FAF] =	sst s6  }
0xf: {  	[smem:$0x3FB0] =	sst s7  }
0x10: {  	[smem:$0x3FB1] =	sst s8  }
0x11: {  	[smem:$0x3FB2] =	sst s9;
	s0 =	simm.s32 @!p0 $0x0  }
0x12: {  	s1 =	sld [smem:$0x3F98];
	s0 =	simm.s32 @p0 $0x1  }
0x13: {  	[smem:$0x3FB3] =	sst s0;
	s0 =	simm.s32 @!p1 $0x0  }
0x14: {  	s2 =	sld [smem:$0x3F97];
	s0 =	simm.s32 @p1 $0x1  }
0x15: {  	[smem:$0x3FB4] =	sst s0;
	s0 =	simm.s32 @!p2 $0x0  }
0x16: {  	s3 =	sld [smem:$0x3FDB];
	s0 =	simm.s32 @p2 $0x1  }
0x17: {  	s4 =	simm.s32 $0x1BF5;
	[smem:$0x3FB6] =	sst s0  }
0x18: {  	s0 =	sld [smem:$0x3F99];
	_ =	swait.ge [sflag:s4], $0x0  }
0x19: {  	s7 =	sld [smem:$0x3F9A]  }
0x1a: {  	s8 =	sadd.s32 $0xFFFFE003, lr  }
0x1b: {  	s9 =	sadd.s32 $0xFFFFFEF7, lr;
	s5 =	simm.s32 $0xFFFFFFFF;
	p2 =	slt.u32 s8, $0xFFFFF086  }
0x1c: {  	p1 =	slt.u32 s9, $0xF7A;
	s5 =	simm.s32 @!p2 $0x0  }
0x1d: {  	s5 =	simm.s32 @p1 $0x1;
	p0 =	seq.s32 s7, s2  }
0x1e: {  	s7 =	smul.u32 @!p0 $0xF7A, s2;
	p2 =	seq.s32 @!p0 s5, $0x0  }
0x1f: {  	s9 =	smul.u32 $0xF7A, s1;
	s8 =	simm.s32 @!p0 $0x1BF5;
	p2 =	por !p2, p0  }
0x20: {  	[sflag:s8] =	ssyncset.s32 @!p0 $0xFFFFF086;
	s6 =	sadd.s32 @!p0 s3, s7;
	s7 =	simm.s32 @!p0 $0x108  }
0x21: {  	s3 =	sadd.s32 s3, s9;
	s6 =	sadd.s32 @!p0 $0x88, s6;
	s7 =	simm.s32 @p2 $0x1082  }
0x22: {  	[simem:s7], [sflag:s8] =	dma.local @!p0 [hbm:s6], $0xF7A  }
0x23: {  	s9 =	sor.u32 $0xD0000000, s2;
	s6 =	simm.s32 $0x108;
	_ =	swait.ge @!p0 [sflag:s8], $0x0  }
0x24: {  	s3 =	sadd.s32 $0x88, s3;
	s6 =	simm.s32 @!p1 $0x1082;
	[sflag:s4] =	ssyncset.s32 $0xFFFFF086  }
0x25: {  	[simem:s6], [sflag:s4] =	dma.local [hbm:s3], $0xF7A  }
0x26: {  	[smem:$0x3F9A] =	sst s1;
	(tag) =	ssettag s2;
	_ =	strace s9  }
0x27: {  	s1 =	sld [smem:$0x3FAA]  }
0x28: {  	s2 =	sld [smem:$0x3FAB]  }
0x29: {  	s4 =	sld [smem:$0x3FAD]  }
0x2a: {  	p0 =	seq.s32 s5, $0x0;
	s5 =	sld [smem:$0x3FAE]  }
0x2b: {  	s6 =	sld [smem:$0x3FAF]  }
0x2c: {  	s7 =	sld [smem:$0x3FB0]  }
0x2d: {  	s3 =	simm.s32 $0x108;
	s8 =	sld [smem:$0x3FB1]  }
0x2e: {  	s3 =	simm.s32 @!p0 $0x1082;
	s9 =	sld [smem:$0x3FB2]  }
0x2f: {  	lr =	sadd.s32 s0, s3;
	s0 =	sld [smem:$0x3FA9]  }
0x30: {  	s3 =	sld [smem:$0x3FAC]  }
0x31: {  	[smem:$0x3FB5] =	sst s10  }
0x32: {  	s10 =	sld [smem:$0x3FB3];
	_ =	sdelay $0x3  }
0x33: {  	p0 =	seq.s32 s10, $0x1;
	s10 =	sld [smem:$0x3FB5];
	_ =	sdelay $0x3  }
0x34: {  	[smem:$0x3FB5] =	sst s10  }
0x35: {  	s10 =	sld [smem:$0x3FB4];
	_ =	sdelay $0x3  }
0x36: {  	p1 =	seq.s32 s10, $0x1;
	s10 =	sld [smem:$0x3FB5];
	_ =	sdelay $0x3  }
0x37: {  	[smem:$0x3FB5] =	sst s10  }
0x38: {  	s10 =	sld [smem:$0x3FB6]  }
0x39: {  	_ = 	snop;
	(pc) =	sbr.ind lr, $3  }
0x3a: {  	_ = 	snop  }
0x3b: {  	_ = 	snop  }
0x3c: {  	p2 =	seq.s32 s10, $0x1;
	s10 =	sld [smem:$0x3FB5]  }
0x3d: {  	_ =	shalt  }
0x3e: {  	_ =	shalt  }
0x3f: {  	_ =	shalt  }
0x40: {  	_ =	shalt  }
0x41: {  	_ =	shalt  }
0x42: {  	_ =	shalt  }
0x43: {  	_ =	shalt  }
0x44: {  	_ =	shalt  }
0x45: {  	_ =	shalt  }
0x46: {  	_ =	shalt  }
0x47: {  	_ =	shalt  }
0x48: {  	_ =	shalt  }
0x49: {  	_ =	shalt  }
0x4a: {  	_ =	shalt  }
0x4b: {  	_ =	shalt  }
0x4c: {  	_ =	shalt  }
0x4d: {  	_ =	shalt  }
0x4e: {  	_ =	shalt  }
0x4f: {  	_ =	shalt  }
0x50: {  	_ =	shalt  }
0x51: {  	_ =	shalt  }
0x52: {  	_ =	shalt  }
0x53: {  	_ =	shalt  }
0x54: {  	_ =	shalt  }
0x55: {  	_ =	shalt  }
0x56: {  	_ =	shalt  }
0x57: {  	_ =	shalt  }
0x58: {  	_ =	shalt  }
0x59: {  	_ =	shalt  }
0x5a: {  	_ =	shalt  }
0x5b: {  	_ =	shalt  }
0x5c: {  	_ =	shalt  }
0x5d: {  	_ =	shalt  }
0x5e: {  	_ =	shalt  }
0x5f: {  	_ =	shalt  }
0x60: {  	_ =	shalt  }
0x61: {  	_ =	shalt  }
0x62: {  	_ =	shalt  }
0x63: {  	_ =	shalt  }
0x64: {  	_ =	shalt  }
0x65: {  	_ =	shalt  }
0x66: {  	_ =	shalt  }
0x67: {  	_ =	shalt  }
0x68: {  	_ =	shalt  }
0x69: {  	_ =	shalt  }
0x6a: {  	_ =	shalt  }
0x6b: {  	_ =	shalt  }
0x6c: {  	_ =	shalt  }
0x6d: {  	_ =	shalt  }
0x6e: {  	_ =	shalt  }
0x6f: {  	_ =	shalt  }
0x70: {  	_ =	shalt  }
0x71: {  	_ =	shalt  }
0x72: {  	_ =	shalt  }
0x73: {  	_ =	shalt  }
0x74: {  	_ =	shalt  }
0x75: {  	_ =	shalt  }
0x76: {  	_ =	shalt  }
0x77: {  	_ =	shalt  }
0x78: {  	_ =	shalt  }
0x79: {  	_ =	shalt  }
0x7a: {  	_ =	shalt  }
0x7b: {  	_ =	shalt  }
0x7c: {  	_ =	shalt  }
0x7d: {  	_ =	shalt  }
0x7e: {  	_ =	shalt  }
0x7f: {  	_ =	shalt  }
0x80: {  	_ =	shalt  }
0x81: {  	_ =	shalt  }
0x82: {  	_ =	shalt  }
0x83: {  	_ =	shalt  }
0x84: {  	_ =	shalt  }
0x85: {  	_ =	shalt  }
0x86: {  	_ =	shalt  }
0x87: {  	_ =	shalt  }
.Lfunc_end0:
.L_simem_size_0:
called_computation.2_lowered:
.L_overlay_start_0:
0x88: {  	s2 =	sld [smem:$0x3FD9]  }
0x89: {  	s3 =	sld [smem:$0x3FFE];
	_ =	sdelay $0x1  }
0x8a: {  	s1 =	srdreg.scid  }
0x8b: {  	s0 =	sand.u32 $0x1, s1  }
0x8c: {  	s14 =	sshll.u32 s0, $0xA;
	s2 =	sadd.s32 s3, s2  }
0x8d: {  	s2 =	sadd.s32 s2, s14  }
0x8e: {  	[smem:$0x3FC1] =	sst s2  }
0x8f: {  	_ = 	snop  }
0x90: {  	s2 =	sld [smem:$0x3FD0];
	_ =	sdelay $0x2  }
0x91: {  	s15 =	simm.s32 $0xA;
	s4 =	simm.s32 $0x10  }
0x92: {  	[smem:s4], [sflag:s15] =	dma.local [hbm:s2], $0x1  }
0x93: {  	_ =	swait.eq [sflag:s15], $0x1  }
0x94: {  	[sflag:s15] =	ssyncset.done $0x0  }
0x95: {  	[sflag:s15] =	ssyncadd.s32 $0xFFFFFFFF  }
0x96: {  	s16 =	sld [smem:$0x10];
	(tm) =	ssettm $0x1  }
0x97: {  	s17 =	sld [smem:$0x3FFB];
	_ =	sdelay $0x3  }
0x98: {  	_ =	strace s17  }
0x99: {  	s3 =	sld [smem:$0x3FFC];
	_ =	sdelay $0x3  }
0x9a: {  	_ =	strace s3  }
0x9b: {  	s3 =	sld [smem:$0x3FFD];
	_ =	sdelay $0x3  }
0x9c: {  	_ =	strace s3  }
0x9d: {  	_ =	strace $0x8FFFFFFF  }
0x9e: {  	s18 =	sld [smem:$0x3FDB];
	_ =	sdelay $0x1  }
0x9f: {  	s19 =	simm.s32 $_scs_section_size  }
0xa0: {  	s5 =	simm.s32 $_size__tile_overlayer_lowered;
	s6 =	simm.s32 $_tile_overlayer_lowered  }
0xa1: {  	s22 =	simm.s32 $0x1BFF;
	s21 =	sshll.u32 s6, $0x1;
	s3 =	sadd.s32 s19, s18  }
0xa2: {  	s7 =	simm.s32 $0x0;
	s20 =	sshll.u32 s5, $0x1;
	s5 =	sadd.s32 s21, s3  }
0xa3: {  	[timem:s7], [sflag:s22] =	dma.local [hbm:s5], s20  }
0xa4: {  	_ =	swait.ge [sflag:s22], s20  }
0xa5: {  	s4 =	ssub.s32 $0x0, s20;
	[sflag:s22] =	ssyncset.done $0x0  }
0xa6: {  	[sflag:s22] =	ssyncadd.s32 s4;
	_ =	sdelay $0x1  }
0xa7: {  	s23 =	simm.s32 $0x1B8B  }
0xa8: {  	_ =	swait.ge [sflag:s23], $0x1  }
0xa9: {  	[sflag:s23] =	ssyncset.done $0x0  }
0xaa: {  	s25 =	simm.s32 $0x1B8E;
	s24 =	sld [smem:$0x3FFE];
	[sflag:s23] =	ssyncadd.s32 $0xFFFFFFFF  }
0xab: {  	s26 =	simm.s32 $execute0_lowered;
	[smem:$0x3FD2] =	sst s25  }
0xac: {  	s5 =	sshll.u32 s26, $0x1;
	_ =	strace $0x8000004C;
	[dreg:$0x1] =	wrdreg $0xFFFFFFFF  }
0xad: {  	s28 =	simm.s32 $_size_execute0_lowered;
	s3 =	sadd.s32 s3, s5;
	[dreg:$0x0] =	wrdreg $0x0  }
0xae: {  	s5 =	sshll.u32 s28, $0x1;
	[dreg:$0x2] =	wrdreg s3  }
0xaf: {  	[dreg:$0x3] =	wrdreg s5  }
0xb0: {  	[dreg:$0x4] =	wrdreg $0xC0  }
0xb1: {  	_ =	task [dreg:s7], $0x5FFFF  }
0xb2: {  	[dreg:$0x1] =	wrdreg $0xFFFFFFFF  }
0xb3: {  	[dreg:$0x0] =	wrdreg $0x60  }
0xb4: {  	[dreg:$0x2] =	wrdreg s24  }
0xb5: {  	[dreg:$0x3] =	wrdreg s16  }
0xb6: {  	[dreg:$0x4] =	wrdreg $0x52000  }
0xb7: {  	[dreg:$0x5] =	wrdreg $0x9  }
0xb8: {  	_ =	task.clear_ibuf [dreg:s7], $0x6FFFF;
	_ =	strace $0x9000004C  }
0xb9: {  	s29 =	simm.s32 $0x9;
	_ =	strace $0x8000004E  }
0xba: {  	_ =	swait.ge [sflag:s29], $0x1  }
0xbb: {  	[sflag:s29] =	ssyncadd.s32 $0xFFFFFFFF  }
0xbc: {  	_ =	strace $0x9000004E  }
0xbd: {  	_ =	sfence  }
0xbe: {  	s30 =	sld [smem:$0x0];
	_ =	sdelay $0x2  }
0xbf: {  	s31 =	sshll.u32 s1, $0xD;
	s1 =	sshrl.u32 s1, $0x2  }
0xc0: {  	s3 =	sand.u32 $0x4000, s31;
	s1 =	sadd.s32 s1, s30  }
0xc1: {  	s0 =	sor.u32 s3, s0;
	s1 =	sshll.u32 s1, $0x11  }
0xc2: {  	s0 =	sor.u32 s1, s0  }
0xc3: {  	s0 =	sadd.s32 $0x8F2B, s0  }
0xc4: {  	[sflag:s0] =	ssyncadd.remote.s32 $0x1  }
0xc5: {  	_ =	sfence.sel $0xFFFF  }
0xc6: {  	[dreg:$0x0] =	wrdreg $0xFFFFFFFF;
	(pc) =	sbr.abs _section_cstart, $3  }
0xc7: {  	[dreg:$0x1] =	wrdreg $0xFFFFFFFF  }
0xc8: {  	_ =	task.clear_ibuf [dreg:s7], $0x2FFFF;
	_ =	strace $0x9FFFFFFF  }
0xc9: {  	(tm) =	ssettm $0x7FFFFFFF  }
tec
execute0_lowered:
.L_overlay_start_1:
0x0: {  	(tag) =	ssettag $0x1  }
0x1: {  	s7 =	rddreg [dreg:$0x0]  }
0x2: {  	s10 =	rddreg [dreg:$0x1]  }
0x3: {  	s1 =	rddreg [dreg:$0x2]  }
0x4: {  	s0 =	rddreg [dreg:$0x3];
	s3 =	simm.s32 $0x0  }
0x5: {  	s2 =	stileid.u32;
	s6 =	srdreg.scid;
	s18 =	simm.s32 $0x80  }
0x6: {  	s19 =	simm.s32 $0x50;
	s20 =	simm.s32 $0x100;
	s21 =	simm.s32 $0x2900  }
0x7: {  	s22 =	simm.s32 $0x2980;
	s23 =	simm.s32 $0x2A00;
	s5 =	smul.u32 $0x2700, s2  }
0x8: {  	s25 =	simm.s32 $0x2;
	s26 =	simm.s32 $0x0;
	s29 =	smul.u32 $0x4E000, s2  }
0x9: {  	[smem:$0x7FF] =	sst s3;
	s4 =	sadd.s32 $0x32800, s7;
	s15 =	smul.u32 $0x2710, s2  }
0xa: {  	s13 =	sadd.s32 $0x1600, s7;
	s8 =	sand.u32 $0x1, s6;
	s31 =	smul.u32 $0x4E2, s2  }
0xb: {  	s12 =	sadd.s32 $0x6600, s7;
	p0 =	seq.s32 s2, $0xF;
	s24 =	smul.u32 $0x2710, s8  }
0xc: {  	_ =	strace $0x8000004D;
	s11 =	ssub.s32 $0x2, s8;
	s17 =	smul.u32 $0x27100, s8  }
0xd: {  	s9 =	sadd.s32 s5, s7;
	s14 =	sshrl.u32 s11, $0x1;
	s6 =	sshrl.u32 s29, $0x2  }
0xe: {  	s7 =	sadd.s32 $0x2FF00, s7;
	s30 =	sshrl.u32 s15, $0x3;
	s15 =	sshll.u32 @!p0 s2, $0x6  }
0xf: {  	s11 =	ssub.s32 s11, s14;
	s16 =	sadd.s32 s6, s1;
	s6 =	sadd.s32 $0xB600, s9  }
0x10: {  	s14 =	sadd.s32 $0x124800, s1;
	s8 =	sadd.s32 s13, s30;
	s9 =	sadd.s32 s12, s30  }
0x11: {  	s10 =	sadd.s32 s10, s17;
	s12 =	sadd.s32 s31, s12;
	s13 =	sadd.s32 s31, s13  }
0x12: {  	s15 =	sor.u32 @!p0 $0x1C03, s15;
	s17 =	simm.s32 $0x3;
	v0 =	vmov s24;
	s24 =	simm.s32 $0x1  }
0x13: {  	s11 =	smax.u32 s11, $0x1;
	s14 =	sshrl.u32 @p0 s14, $0x3;
	s16 =	sshrl.u32 @!p0 s16, $0x3  }
.LBB2_1:
0x14: {  	s28 =	simm.s32 @p0 $0x1FC3  }
0x15: {  	[spmem:s14], [sflag:s28] =	dma.local @p0 [hbm:s7], $0x2800  }
0x16: {  	s28 =	simm.s32 @p0 $0x3  }
0x17: {  	_ =	swait.ge @p0 [sflag:s28], $0x2800  }
0x18: {  	[sflag:s28] =	ssyncset.done @p0 $0x0  }
0x19: {  	[sflag:s28] =	ssyncadd.s32 @p0 $0xFFFFD800;
	s28 =	simm.s32 @!p0 $0x3  }
0x1a: {  	[spmem:s16], [sflag:s15] =	dma.local @!p0 [hbm:s6], $0x2700  }
0x1b: {  	_ =	swait.ge @!p0 [sflag:s28], $0x2700  }
0x1c: {  	[sflag:s28] =	ssyncset.done @!p0 $0x0  }
0x1d: {  	[sflag:s28] =	ssyncadd.s32 @!p0 $0xFFFFD900  }
0x1e: {  	[bflag:$0x0] =	sbarrier.arrive $0xFFFF  }
0x1f: {  	[tilespmem:s3], [sflag:$0x3] =	stream.linear.gather [hbm4b:s8+s3], $0x50, $0x38;
	[tilespmem:$0x18A80] =	vst v63  }
0x20: {  	_ =	swait.ge [sflag:s17], $0x50  }
0x21: {  	[sflag:s17] =	ssyncset.done $0x0  }
0x22: {  	[sflag:s17] =	ssyncadd.s32 $0xFFFFFFB0  }
0x23: {  	[tilespmem:s18], [sflag:$0x3] =	stream.linear.gather [hbm4b:s9+s3], $0x50, $0x38;
	[tilespmem:$0x18A80] =	vst v63  }
0x24: {  	_ =	swait.ge [sflag:s17], $0x50  }
0x25: {  	[sflag:s17] =	ssyncset.done $0x0  }
0x26: {  	[sflag:s17] =	ssyncadd.s32 $0xFFFFFFB0  }
0x27: {  	v1 =	vld [tilespmem:$0x0]  }
0x28: {  	v2 =	vld [tilespmem:$0x10]  }
0x29: {  	v3 =	vld [tilespmem:$0x20]  }
0x2a: {  	v4 =	vld [tilespmem:$0x30]  }
0x2b: {  	v5 =	vld [tilespmem:$0x40]  }
0x2c: {  	v1 =	vadd.s32 v0, v1  }
0x2d: {  	[tilespmem:$0x0] =	vst v1;
	v1 =	vadd.s32 v0, v2  }
0x2e: {  	[tilespmem:$0x10] =	vst v1;
	v1 =	vadd.s32 v0, v3  }
0x2f: {  	[tilespmem:$0x20] =	vst v1;
	v1 =	vadd.s32 v0, v4  }
0x30: {  	[tilespmem:$0x30] =	vst v1;
	v1 =	vadd.s32 v0, v5  }
0x31: {  	s28 =	sadd.s32 $0xFFFFFB28, s13;
	[tilespmem:$0x40] =	vst v1  }
0x32: {  	[tilespmem:s20], [sflag:$0x1] =	stream.indirect.gather [hbm4b:s4+s19], $0x80, s3, s19, $0xb8;
	[tilespmem:$0x18A80] =	vst v63  }
0x33: {  	s29 =	sadd.s32 $0x4E2, s28  }
0x34: {  	[tilespmem:s21], [sflag:$0x3] =	stream.linear.gather [hbm4b:s29+s3], $0x50, $0x38;
	[tilespmem:$0x18A80] =	vst v63  }
0x35: {  	_ =	swait.ge [sflag:s17], $0x50  }
0x36: {  	s31 =	sadd.s32 $0xFFFFFB28, s12;
	[sflag:s17] =	ssyncset.done $0x0  }
0x37: {  	s30 =	sadd.s32 $0x4E2, s31;
	[sflag:s17] =	ssyncadd.s32 $0xFFFFFFB0  }
0x38: {  	[tilespmem:s22], [sflag:$0x3] =	stream.linear.gather [hbm4b:s30+s3], $0x50, $0x38;
	[tilespmem:$0x18A80] =	vst v63  }
0x39: {  	_ =	swait.ge [sflag:s17], $0x50  }
0x3a: {  	[sflag:s17] =	ssyncset.done $0x0  }
0x3b: {  	[sflag:s17] =	ssyncadd.s32 $0xFFFFFFB0  }
0x3c: {  	v1 =	vld [tilespmem:$0x2940]  }
0x3d: {  	v2 =	vld [tilespmem:$0x2920]  }
0x3e: {  	v3 =	vld [tilespmem:$0x2910]  }
0x3f: {  	v60 =	vld [tilespmem:$0x2900]  }
0x40: {  	v61 =	vld [tilespmem:$0x2930]  }
0x41: {  	v1 =	vadd.s32 v0, v1  }
0x42: {  	v2 =	vadd.s32 v0, v2;
	[tilespmem:$0x2940] =	vst v1  }
0x43: {  	v1 =	vadd.s32 v0, v3;
	[tilespmem:$0x2920] =	vst v2  }
0x44: {  	v2 =	vadd.s32 v0, v60;
	[tilespmem:$0x2910] =	vst v1  }
0x45: {  	[tilespmem:$0x2900] =	vst v2;
	v1 =	vadd.s32 v0, v61  }
0x46: {  	[tilespmem:$0x2930] =	vst v1  }
0x47: {  	[tilespmem:s23], [sflag:$0x2] =	stream.indirect.gather [hbm4b:s4+s19], $0x80, s21, s19, $0xb8;
	[tilespmem:$0x18A80] =	vst v63  }
0x48: {  	_ =	swait.ge [sflag:s24], $0x2800  }
0x49: {  	[sflag:s24] =	ssyncset.done $0x0  }
0x4a: {  	[sflag:s24] =	ssyncadd.s32 $0xFFFFD800  }
0x4b: {  	[spmem:s1] =	stream.indirect.scatter.add.f32 [tilespmem:s20], [sflag:$0x3], $0x80, s18, s19, $0xb8;
	[tilespmem:$0x18A80] =	vst v63  }
0x4c: {  	_ =	swait.ge [sflag:s17], $0x2800  }
0x4d: {  	[sflag:s17] =	ssyncset.done $0x0  }
0x4e: {  	s28 =	sadd.s32 $0x4EC, s28;
	[sflag:s17] =	ssyncadd.s32 $0xFFFFD800  }
0x4f: {  	[tilespmem:s3], [sflag:$0x3] =	stream.linear.gather [hbm4b:s28+s3], $0x50, $0x38;
	[tilespmem:$0x18A80] =	vst v63  }
0x50: {  	_ =	swait.ge [sflag:s17], $0x50  }
0x51: {  	[sflag:s17] =	ssyncset.done $0x0  }
0x52: {  	s28 =	sadd.s32 $0x4EC, s31;
	[sflag:s17] =	ssyncadd.s32 $0xFFFFFFB0  }
0x53: {  	[tilespmem:s18], [sflag:$0x3] =	stream.linear.gather [hbm4b:s28+s3], $0x50, $0x38;
	[tilespmem:$0x18A80] =	vst v63  }
0x54: {  	_ =	swait.ge [sflag:s17], $0x50  }
0x55: {  	[sflag:s17] =	ssyncset.done $0x0  }
0x56: {  	[sflag:s17] =	ssyncadd.s32 $0xFFFFFFB0  }
0x57: {  	v1 =	vld [tilespmem:$0x40]  }
0x58: {  	v2 =	vld [tilespmem:$0x30]  }
0x59: {  	v3 =	vld [tilespmem:$0x10]  }
0x5a: {  	v62 =	vld [tilespmem:$0x0]  }
0x5b: {  	v63 =	vld [tilespmem:$0x20]  }
0x5c: {  	v1 =	vadd.s32 v0, v1  }
0x5d: {  	v2 =	vadd.s32 v0, v2;
	[tilespmem:$0x40] =	vst v1  }
0x5e: {  	v1 =	vadd.s32 v0, v3;
	[tilespmem:$0x30] =	vst v2  }
0x5f: {  	v2 =	vadd.s32 v0, v62;
	[tilespmem:$0x10] =	vst v1  }
0x60: {  	s28 =	simm.s32 $0xFFFFFB3C;
	[tilespmem:$0x0] =	vst v2;
	v1 =	vadd.s32 v0, v63  }
.LBB2_2:
0x61: {  	p1 =	sne.s32 s28, $0xFFFFFFEC;
	[tilespmem:$0x20] =	vst v1;
	s30 =	smov.u32 s28;
	s28 =	sadd.s32 $0x14, s28  }
0x62: {  	[tilespmem:s20], [sflag:$0x1] =	stream.indirect.gather [hbm4b:s4+s19], $0x80, s3, s19, $0xb8;
	[tilespmem:$0x18A80] =	vst v63  }
0x63: {  	_ =	swait.ge [sflag:s25], $0x2800  }
0x64: {  	[sflag:s25] =	ssyncset.done $0x0  }
0x65: {  	[sflag:s25] =	ssyncadd.s32 $0xFFFFD800  }
0x66: {  	[spmem:s1] =	stream.indirect.scatter.add.f32 [tilespmem:s23], [sflag:$0x3], $0x80, s22, s19, $0xb8;
	[tilespmem:$0x18A80] =	vst v63  }
0x67: {  	_ =	swait.ge [sflag:s17], $0x2800  }
0x68: {  	s29 =	sadd.s32 s30, s13;
	[sflag:s17] =	ssyncset.done $0x0  }
0x69: {  	s31 =	sadd.s32 $0x4E2, s29;
	[sflag:s17] =	ssyncadd.s32 $0xFFFFD800  }
0x6a: {  	[tilespmem:s21], [sflag:$0x3] =	stream.linear.gather [hbm4b:s31+s3], $0x50, $0x38;
	[tilespmem:$0x18A80] =	vst v63  }
0x6b: {  	_ =	swait.ge [sflag:s17], $0x50  }
0x6c: {  	s30 =	sadd.s32 s30, s12;
	[sflag:s17] =	ssyncset.done $0x0  }
0x6d: {  	s31 =	sadd.s32 $0x4E2, s30;
	[sflag:s17] =	ssyncadd.s32 $0xFFFFFFB0  }
0x6e: {  	[tilespmem:s22], [sflag:$0x3] =	stream.linear.gather [hbm4b:s31+s3], $0x50, $0x38;
	[tilespmem:$0x18A80] =	vst v63  }
0x6f: {  	_ =	swait.ge [sflag:s17], $0x50  }
0x70: {  	[sflag:s17] =	ssyncset.done $0x0  }
0x71: {  	[sflag:s17] =	ssyncadd.s32 $0xFFFFFFB0  }
0x72: {  	v1 =	vld [tilespmem:$0x2940]  }
0x73: {  	v2 =	vld [tilespmem:$0x2920]  }
0x74: {  	v3 =	vld [tilespmem:$0x2910]  }
0x75: {  	v4 =	vld [tilespmem:$0x2900]  }
0x76: {  	v5 =	vld [tilespmem:$0x2930]  }
0x77: {  	v1 =	vadd.s32 v0, v1  }
0x78: {  	v2 =	vadd.s32 v0, v2;
	[tilespmem:$0x2940] =	vst v1  }
0x79: {  	v1 =	vadd.s32 v0, v3;
	[tilespmem:$0x2920] =	vst v2  }
0x7a: {  	v2 =	vadd.s32 v0, v4;
	[tilespmem:$0x2910] =	vst v1  }
0x7b: {  	[tilespmem:$0x2900] =	vst v2;
	v1 =	vadd.s32 v0, v5  }
0x7c: {  	[tilespmem:$0x2930] =	vst v1  }
0x7d: {  	[tilespmem:s23], [sflag:$0x2] =	stream.indirect.gather [hbm4b:s4+s19], $0x80, s21, s19, $0xb8;
	[tilespmem:$0x18A80] =	vst v63  }
0x7e: {  	_ =	swait.ge [sflag:s24], $0x2800  }
0x7f: {  	[sflag:s24] =	ssyncset.done $0x0  }
0x80: {  	[sflag:s24] =	ssyncadd.s32 $0xFFFFD800  }
0x81: {  	[spmem:s1] =	stream.indirect.scatter.add.f32 [tilespmem:s20], [sflag:$0x3], $0x80, s18, s19, $0xb8;
	[tilespmem:$0x18A80] =	vst v63  }
0x82: {  	_ =	swait.ge [sflag:s17], $0x2800  }
0x83: {  	[sflag:s17] =	ssyncset.done $0x0  }
0x84: {  	s29 =	sadd.s32 $0x4EC, s29;
	[sflag:s17] =	ssyncadd.s32 $0xFFFFD800  }
0x85: {  	[tilespmem:s3], [sflag:$0x3] =	stream.linear.gather [hbm4b:s29+s3], $0x50, $0x38;
	[tilespmem:$0x18A80] =	vst v63  }
0x86: {  	_ =	swait.ge [sflag:s17], $0x50  }
0x87: {  	[sflag:s17] =	ssyncset.done $0x0  }
0x88: {  	s29 =	sadd.s32 $0x4EC, s30;
	[sflag:s17] =	ssyncadd.s32 $0xFFFFFFB0  }
0x89: {  	[tilespmem:s18], [sflag:$0x3] =	stream.linear.gather [hbm4b:s29+s3], $0x50, $0x38;
	[tilespmem:$0x18A80] =	vst v63  }
0x8a: {  	_ =	swait.ge [sflag:s17], $0x50  }
0x8b: {  	[sflag:s17] =	ssyncset.done $0x0  }
0x8c: {  	[sflag:s17] =	ssyncadd.s32 $0xFFFFFFB0  }
0x8d: {  	v1 =	vld [tilespmem:$0x40]  }
0x8e: {  	v2 =	vld [tilespmem:$0x30]  }
0x8f: {  	v3 =	vld [tilespmem:$0x10]  }
0x90: {  	v4 =	vld [tilespmem:$0x0]  }
0x91: {  	v5 =	vld [tilespmem:$0x20]  }
.Ltmp0:
0x92: {  	v1 =	vadd.s32 v0, v1;
	(pc) =	sbr.rel @p1 .LBB2_2-.Ltmp0, $4  }
0x93: {  	v2 =	vadd.s32 v0, v2;
	[tilespmem:$0x40] =	vst v1  }
0x94: {  	v1 =	vadd.s32 v0, v3;
	[tilespmem:$0x30] =	vst v2  }
0x95: {  	v2 =	vadd.s32 v0, v4;
	[tilespmem:$0x10] =	vst v1  }
0x96: {  	[tilespmem:$0x0] =	vst v2;
	v1 =	vadd.s32 v0, v5  }
0x97: {  	[tilespmem:$0x20] =	vst v1  }
0x98: {  	[tilespmem:s20], [sflag:$0x1] =	stream.indirect.gather [hbm4b:s4+s19], $0x80, s3, s19, $0xb8;
	[tilespmem:$0x18A80] =	vst v63  }
0x99: {  	_ =	swait.ge [sflag:s25], $0x2800  }
0x9a: {  	[sflag:s25] =	ssyncset.done $0x0  }
0x9b: {  	[sflag:s25] =	ssyncadd.s32 $0xFFFFD800  }
0x9c: {  	[spmem:s1] =	stream.indirect.scatter.add.f32 [tilespmem:s23], [sflag:$0x3], $0x80, s22, s19, $0xb8;
	[tilespmem:$0x18A80] =	vst v63  }
0x9d: {  	_ =	swait.ge [sflag:s17], $0x2800  }
0x9e: {  	[sflag:s17] =	ssyncset.done $0x0  }
0x9f: {  	[sflag:s17] =	ssyncadd.s32 $0xFFFFD800  }
0xa0: {  	_ =	swait.ge [sflag:s24], $0x2800  }
0xa1: {  	[sflag:s24] =	ssyncset.done $0x0  }
0xa2: {  	[sflag:s24] =	ssyncadd.s32 $0xFFFFD800  }
0xa3: {  	[spmem:s1] =	stream.indirect.scatter.add.f32 [tilespmem:s20], [sflag:$0x3], $0x80, s18, s19, $0xb8;
	[tilespmem:$0x18A80] =	vst v63  }
0xa4: {  	_ =	swait.ge [sflag:s17], $0x2800  }
0xa5: {  	[sflag:s17] =	ssyncset.done $0x0  }
0xa6: {  	[sflag:s17] =	ssyncadd.s32 $0xFFFFD800  }
0xa7: {  	s28 =	sadd.s32 @p0 $0x24900, s10;
	s29 =	simm.s32 @p0 $0x1FC3;
	[bflag:$0x0] =	sbarrier.arrive $0xFFFF  }
0xa8: {  	[hbm:s28], [sflag:s29] =	dma.local @p0 [spmem:s14], $0x2800  }
0xa9: {  	s28 =	simm.s32 @p0 $0x3  }
0xaa: {  	_ =	swait.ge @p0 [sflag:s28], $0x2800  }
0xab: {  	s26 =	sadd.s32 $0x1, s26;
	[sflag:s28] =	ssyncset.done @p0 $0x0  }
0xac: {  	p1 =	sne.s32 s26, s11;
	[sflag:s28] =	ssyncadd.s32 @p0 $0xFFFFD800;
	s28 =	sadd.s32 @!p0 s5, s10  }
0xad: {  	[hbm:s28], [sflag:s15] =	dma.local @!p0 [spmem:s16], $0x2700  }
.Ltmp1:
0xae: {  	_ = 	snop;
	(pc) =	sbr.rel @p1 .LBB2_1-.Ltmp1, $4  }
0xaf: {  	s28 =	simm.s32 @!p0 $0x3  }
0xb0: {  	_ =	swait.ge @!p0 [sflag:s28], $0x2700  }
0xb1: {  	[sflag:s28] =	ssyncset.done @!p0 $0x0  }
0xb2: {  	[sflag:s28] =	ssyncadd.s32 @!p0 $0xFFFFD900  }
0xb3: {  	_ =	sfence.sel $0x180000  }
0xb4: {  	[bflag:$0x0] =	sbarrier.arrive $0xFFFF  }
0xb5: {  	p0 =	sne.s32 s2, $0x0;
	_ =	strace $0x9000004D  }
0xb6: {  	s0 =	sadd.s32 @!p0 $0x100000, s0;
	[bflag:$0x2] =	sbarrier.arrive $0xFFFF  }
0xb7: {  	[sflag:s0] =	ssyncadd.tile.s32 @!p0 $0x1;
	_ =	shalt  }
.Lfunc_end2:
_tile_overlayer_lowered:
.L_overlay_start_2:
0xb8: {  	(tag) =	ssettag $0x2  }
0xb9: {  	s0 =	rddreg [dreg:$0x0];
	s2 =	stileid.u32  }
0xba: {  	s1 =	rddreg [dreg:$0x1];
	p0 =	sne.s32 s2, $0x0  }
0xbb: {  	s3 =	rddreg [dreg:$0x2];
	[bflag:$0x3] =	sbarrier.arrive $0xFFFF;
	s2 =	simm.s32 @!p0 $0x1C03  }
0xbc: {  	[timem:s3], [sflag:s2] =	dma.local @!p0 [hbm:s0], s1  }
0xbd: {  	s0 =	simm.s32 @!p0 $0x3  }
0xbe: {  	_ =	swait.ge @!p0 [sflag:s0], s1  }
0xbf: {  	s1 =	ssub.s32 @!p0 $0x0, s1;
	[sflag:s0] =	ssyncset.done @!p0 $0x0  }
0xc0: {  	[sflag:s0] =	ssyncadd.s32 @!p0 s1  }
0xc1: {  	[bflag:$0x3] =	sbarrier.arrive $0xFFFF  }
0xc2: {  	_ =	shalt  }

// kernel: kernel.8.cloned.1.call-start
scs
__scs_entry_jumppad:
0x0: {  	(pc) =	sbr.rel $0x88, $3  }
0x1: {  	(tag) =	ssettag $0x0;
	lr =	simm.s32 $0x1  }
0x2: {  	[smem:$0x3F9A] =	sst lr;
	_ =	strace $0xD0000000  }
0x3: {  	_ = 	snop  }
0x4: {  	_ = 	snop  }
0x5: {  	_ = 	snop  }
0x6: {  	_ = 	snop  }
0x7: {  	_ = 	snop  }
__scs_overlays_trampoline_lowered:
0x8: {  	[smem:$0x3FA9] =	sst s0  }
0x9: {  	[smem:$0x3FAA] =	sst s1  }
0xa: {  	[smem:$0x3FAB] =	sst s2  }
0xb: {  	[smem:$0x3FAC] =	sst s3  }
0xc: {  	[smem:$0x3FAD] =	sst s4  }
0xd: {  	[smem:$0x3FAE] =	sst s5  }
0xe: {  	[smem:$0x3FAF] =	sst s6  }
0xf: {  	[smem:$0x3FB0] =	sst s7  }
0x10: {  	[smem:$0x3FB1] =	sst s8  }
0x11: {  	[smem:$0x3FB2] =	sst s9;
	s0 =	simm.s32 @!p0 $0x0  }
0x12: {  	s1 =	sld [smem:$0x3F98];
	s0 =	simm.s32 @p0 $0x1  }
0x13: {  	[smem:$0x3FB3] =	sst s0;
	s0 =	simm.s32 @!p1 $0x0  }
0x14: {  	s2 =	sld [smem:$0x3F97];
	s0 =	simm.s32 @p1 $0x1  }
0x15: {  	[smem:$0x3FB4] =	sst s0;
	s0 =	simm.s32 @!p2 $0x0  }
0x16: {  	s3 =	sld [smem:$0x3FDB];
	s0 =	simm.s32 @p2 $0x1  }
0x17: {  	s4 =	simm.s32 $0x1BF5;
	[smem:$0x3FB6] =	sst s0  }
0x18: {  	s0 =	sld [smem:$0x3F99];
	_ =	swait.ge [sflag:s4], $0x0  }
0x19: {  	s7 =	sld [smem:$0x3F9A]  }
0x1a: {  	s8 =	sadd.s32 $0xFFFFE003, lr  }
0x1b: {  	s9 =	sadd.s32 $0xFFFFFEF7, lr;
	s5 =	simm.s32 $0xFFFFFFFF;
	p2 =	slt.u32 s8, $0xFFFFF086  }
0x1c: {  	p1 =	slt.u32 s9, $0xF7A;
	s5 =	simm.s32 @!p2 $0x0  }
0x1d: {  	s5 =	simm.s32 @p1 $0x1;
	p0 =	seq.s32 s7, s2  }
0x1e: {  	s7 =	smul.u32 @!p0 $0xF7A, s2;
	p2 =	seq.s32 @!p0 s5, $0x0  }
0x1f: {  	s9 =	smul.u32 $0xF7A, s1;
	s8 =	simm.s32 @!p0 $0x1BF5;
	p2 =	por !p2, p0  }
0x20: {  	[sflag:s8] =	ssyncset.s32 @!p0 $0xFFFFF086;
	s6 =	sadd.s32 @!p0 s3, s7;
	s7 =	simm.s32 @!p0 $0x108  }
0x21: {  	s3 =	sadd.s32 s3, s9;
	s6 =	sadd.s32 @!p0 $0x88, s6;
	s7 =	simm.s32 @p2 $0x1082  }
0x22: {  	[simem:s7], [sflag:s8] =	dma.local @!p0 [hbm:s6], $0xF7A  }
0x23: {  	s9 =	sor.u32 $0xD0000000, s2;
	s6 =	simm.s32 $0x108;
	_ =	swait.ge @!p0 [sflag:s8], $0x0  }
0x24: {  	s3 =	sadd.s32 $0x88, s3;
	s6 =	simm.s32 @!p1 $0x1082;
	[sflag:s4] =	ssyncset.s32 $0xFFFFF086  }
0x25: {  	[simem:s6], [sflag:s4] =	dma.local [hbm:s3], $0xF7A  }
0x26: {  	[smem:$0x3F9A] =	sst s1;
	(tag) =	ssettag s2;
	_ =	strace s9  }
0x27: {  	s1 =	sld [smem:$0x3FAA]  }
0x28: {  	s2 =	sld [smem:$0x3FAB]  }
0x29: {  	s4 =	sld [smem:$0x3FAD]  }
0x2a: {  	p0 =	seq.s32 s5, $0x0;
	s5 =	sld [smem:$0x3FAE]  }
0x2b: {  	s6 =	sld [smem:$0x3FAF]  }
0x2c: {  	s7 =	sld [smem:$0x3FB0]  }
0x2d: {  	s3 =	simm.s32 $0x108;
	s8 =	sld [smem:$0x3FB1]  }
0x2e: {  	s3 =	simm.s32 @!p0 $0x1082;
	s9 =	sld [smem:$0x3FB2]  }
0x2f: {  	lr =	sadd.s32 s0, s3;
	s0 =	sld [smem:$0x3FA9]  }
0x30: {  	s3 =	sld [smem:$0x3FAC]  }
0x31: {  	[smem:$0x3FB5] =	sst s10  }
0x32: {  	s10 =	sld [smem:$0x3FB3];
	_ =	sdelay $0x3  }
0x33: {  	p0 =	seq.s32 s10, $0x1;
	s10 =	sld [smem:$0x3FB5];
	_ =	sdelay $0x3  }
0x34: {  	[smem:$0x3FB5] =	sst s10  }
0x35: {  	s10 =	sld [smem:$0x3FB4];
	_ =	sdelay $0x3  }
0x36: {  	p1 =	seq.s32 s10, $0x1;
	s10 =	sld [smem:$0x3FB5];
	_ =	sdelay $0x3  }
0x37: {  	[smem:$0x3FB5] =	sst s10  }
0x38: {  	s10 =	sld [smem:$0x3FB6]  }
0x39: {  	_ = 	snop;
	(pc) =	sbr.ind lr, $3  }
0x3a: {  	_ = 	snop  }
0x3b: {  	_ = 	snop  }
0x3c: {  	p2 =	seq.s32 s10, $0x1;
	s10 =	sld [smem:$0x3FB5]  }
0x3d: {  	_ =	shalt  }
0x3e: {  	_ =	shalt  }
0x3f: {  	_ =	shalt  }
0x40: {  	_ =	shalt  }
0x41: {  	_ =	shalt  }
0x42: {  	_ =	shalt  }
0x43: {  	_ =	shalt  }
0x44: {  	_ =	shalt  }
0x45: {  	_ =	shalt  }
0x46: {  	_ =	shalt  }
0x47: {  	_ =	shalt  }
0x48: {  	_ =	shalt  }
0x49: {  	_ =	shalt  }
0x4a: {  	_ =	shalt  }
0x4b: {  	_ =	shalt  }
0x4c: {  	_ =	shalt  }
0x4d: {  	_ =	shalt  }
0x4e: {  	_ =	shalt  }
0x4f: {  	_ =	shalt  }
0x50: {  	_ =	shalt  }
0x51: {  	_ =	shalt  }
0x52: {  	_ =	shalt  }
0x53: {  	_ =	shalt  }
0x54: {  	_ =	shalt  }
0x55: {  	_ =	shalt  }
0x56: {  	_ =	shalt  }
0x57: {  	_ =	shalt  }
0x58: {  	_ =	shalt  }
0x59: {  	_ =	shalt  }
0x5a: {  	_ =	shalt  }
0x5b: {  	_ =	shalt  }
0x5c: {  	_ =	shalt  }
0x5d: {  	_ =	shalt  }
0x5e: {  	_ =	shalt  }
0x5f: {  	_ =	shalt  }
0x60: {  	_ =	shalt  }
0x61: {  	_ =	shalt  }
0x62: {  	_ =	shalt  }
0x63: {  	_ =	shalt  }
0x64: {  	_ =	shalt  }
0x65: {  	_ =	shalt  }
0x66: {  	_ =	shalt  }
0x67: {  	_ =	shalt  }
0x68: {  	_ =	shalt  }
0x69: {  	_ =	shalt  }
0x6a: {  	_ =	shalt  }
0x6b: {  	_ =	shalt  }
0x6c: {  	_ =	shalt  }
0x6d: {  	_ =	shalt  }
0x6e: {  	_ =	shalt  }
0x6f: {  	_ =	shalt  }
0x70: {  	_ =	shalt  }
0x71: {  	_ =	shalt  }
0x72: {  	_ =	shalt  }
0x73: {  	_ =	shalt  }
0x74: {  	_ =	shalt  }
0x75: {  	_ =	shalt  }
0x76: {  	_ =	shalt  }
0x77: {  	_ =	shalt  }
0x78: {  	_ =	shalt  }
0x79: {  	_ =	shalt  }
0x7a: {  	_ =	shalt  }
0x7b: {  	_ =	shalt  }
0x7c: {  	_ =	shalt  }
0x7d: {  	_ =	shalt  }
0x7e: {  	_ =	shalt  }
0x7f: {  	_ =	shalt  }
0x80: {  	_ =	shalt  }
0x81: {  	_ =	shalt  }
0x82: {  	_ =	shalt  }
0x83: {  	_ =	shalt  }
0x84: {  	_ =	shalt  }
0x85: {  	_ =	shalt  }
0x86: {  	_ =	shalt  }
0x87: {  	_ =	shalt  }
.Lfunc_end0:
.L_simem_size_0:
called_computation_lowered:
.L_overlay_start_0:
0x88: {  	s2 =	sld [smem:$0x3FD9]  }
0x89: {  	s3 =	sld [smem:$0x3FFE];
	_ =	sdelay $0x1  }
0x8a: {  	s1 =	srdreg.scid  }
0x8b: {  	s0 =	sand.u32 $0x1, s1  }
0x8c: {  	s14 =	sshll.u32 s0, $0xA;
	s2 =	sadd.s32 s3, s2  }
0x8d: {  	s2 =	sadd.s32 s2, s14  }
0x8e: {  	[smem:$0x3FC1] =	sst s2  }
0x8f: {  	_ = 	snop  }
0x90: {  	s2 =	sld [smem:$0x3FD0];
	_ =	sdelay $0x2  }
0x91: {  	s15 =	simm.s32 $0xA;
	s4 =	simm.s32 $0x10  }
0x92: {  	[smem:s4], [sflag:s15] =	dma.local [hbm:s2], $0x1  }
0x93: {  	_ =	swait.eq [sflag:s15], $0x1  }
0x94: {  	[sflag:s15] =	ssyncset.done $0x0  }
0x95: {  	s16 =	sld [smem:$0x10];
	[sflag:s15] =	ssyncadd.s32 $0xFFFFFFFF  }
0x96: {  	s17 =	sld [smem:$0x11];
	(tm) =	ssettm $0x1  }
0x97: {  	s18 =	sld [smem:$0x3FFB];
	_ =	sdelay $0x3  }
0x98: {  	_ =	strace s18  }
0x99: {  	s4 =	sld [smem:$0x3FFC];
	_ =	sdelay $0x3  }
0x9a: {  	_ =	strace s4  }
0x9b: {  	s4 =	sld [smem:$0x3FFD];
	_ =	sdelay $0x3  }
0x9c: {  	_ =	strace s4  }
0x9d: {  	_ =	strace $0x8FFFFFFF  }
0x9e: {  	s19 =	sld [smem:$0x3FDB];
	_ =	sdelay $0x1  }
0x9f: {  	s5 =	simm.s32 $_scs_section_size  }
0xa0: {  	s6 =	simm.s32 $_size__tile_overlayer_lowered;
	s7 =	simm.s32 $_tile_overlayer_lowered  }
0xa1: {  	s22 =	simm.s32 $0x1BFF;
	s21 =	sshll.u32 s7, $0x1;
	s4 =	sadd.s32 s5, s19  }
0xa2: {  	s8 =	simm.s32 $0x0;
	s20 =	sshll.u32 s6, $0x1;
	s6 =	sadd.s32 s21, s4  }
0xa3: {  	[timem:s8], [sflag:s22] =	dma.local [hbm:s6], s20  }
0xa4: {  	_ =	swait.ge [sflag:s22], s20  }
0xa5: {  	s5 =	ssub.s32 $0x0, s20;
	[sflag:s22] =	ssyncset.done $0x0  }
0xa6: {  	[sflag:s22] =	ssyncadd.s32 s5;
	_ =	sdelay $0x1  }
0xa7: {  	s23 =	simm.s32 $0x1B8B  }
0xa8: {  	_ =	swait.ge [sflag:s23], $0x1  }
0xa9: {  	[sflag:s23] =	ssyncset.done $0x0  }
0xaa: {  	s25 =	simm.s32 $0x1B8E;
	s24 =	sld [smem:$0x3FFE];
	[sflag:s23] =	ssyncadd.s32 $0xFFFFFFFF  }
0xab: {  	s26 =	simm.s32 $execute0_lowered;
	[smem:$0x3FD2] =	sst s25  }
0xac: {  	s6 =	sshll.u32 s26, $0x1;
	_ =	strace $0x80000046;
	[dreg:$0x1] =	wrdreg $0xFFFFFFFF  }
0xad: {  	s28 =	simm.s32 $_size_execute0_lowered;
	s4 =	sadd.s32 s4, s6;
	[dreg:$0x0] =	wrdreg $0x0  }
0xae: {  	s6 =	sshll.u32 s28, $0x1;
	[dreg:$0x2] =	wrdreg s4  }
0xaf: {  	[dreg:$0x3] =	wrdreg s6  }
0xb0: {  	[dreg:$0x4] =	wrdreg $0xC0  }
0xb1: {  	_ =	task [dreg:s8], $0x5FFFF  }
0xb2: {  	[dreg:$0x1] =	wrdreg $0xFFFFFFFF  }
0xb3: {  	[dreg:$0x0] =	wrdreg $0x60  }
0xb4: {  	[dreg:$0x2] =	wrdreg s24  }
0xb5: {  	[dreg:$0x3] =	wrdreg s17  }
0xb6: {  	[dreg:$0x4] =	wrdreg s16  }
0xb7: {  	[dreg:$0x5] =	wrdreg $0x8000  }
0xb8: {  	[dreg:$0x6] =	wrdreg $0x9  }
0xb9: {  	_ =	task.clear_ibuf [dreg:s8], $0x7FFFF;
	_ =	strace $0x90000046  }
0xba: {  	s29 =	simm.s32 $0x9;
	_ =	strace $0x80000048  }
0xbb: {  	_ =	swait.ge [sflag:s29], $0x1  }
0xbc: {  	[sflag:s29] =	ssyncadd.s32 $0xFFFFFFFF  }
0xbd: {  	_ =	strace $0x90000048  }
0xbe: {  	_ =	sfence  }
0xbf: {  	s30 =	sld [smem:$0x0];
	_ =	sdelay $0x2  }
0xc0: {  	s31 =	sshll.u32 s1, $0xD;
	s1 =	sshrl.u32 s1, $0x2  }
0xc1: {  	s3 =	sand.u32 $0x4000, s31;
	s1 =	sadd.s32 s1, s30  }
0xc2: {  	s0 =	sor.u32 s3, s0;
	s1 =	sshll.u32 s1, $0x11  }
0xc3: {  	s0 =	sor.u32 s1, s0  }
0xc4: {  	s0 =	sadd.s32 $0x8F2B, s0  }
0xc5: {  	[sflag:s0] =	ssyncadd.remote.s32 $0x1  }
0xc6: {  	_ =	sfence.sel $0xFFFF  }
0xc7: {  	[dreg:$0x0] =	wrdreg $0xFFFFFFFF;
	(pc) =	sbr.abs _section_cstart, $3  }
0xc8: {  	[dreg:$0x1] =	wrdreg $0xFFFFFFFF  }
0xc9: {  	_ =	task.clear_ibuf [dreg:s8], $0x2FFFF;
	_ =	strace $0x9FFFFFFF  }
0xca: {  	(tm) =	ssettm $0x7FFFFFFF  }
0xcb: {  	_ =	shalt  }
tec
execute0_lowered:
.L_overlay_start_1:
0x0: {  	(tag) =	ssettag $0x1  }
0x1: {  	s3 =	rddreg [dreg:$0x0]  }
0x2: {  	s10 =	rddreg [dreg:$0x1]  }
0x3: {  	s11 =	rddreg [dreg:$0x2]  }
0x4: {  	s1 =	rddreg [dreg:$0x3];
	s4 =	srdreg.scid  }
0x5: {  	s0 =	rddreg [dreg:$0x4];
	s4 =	sand.u32 $0x1, s4  }
0x6: {  	s2 =	simm.s32 $0x0;
	s5 =	sshll.u32 s4, $0x4;
	s4 =	ssub.s32 $0x2, s4  }
0x7: {  	s7 =	stileid.u32;
	p1 =	por $0x0, $0x0;
	s6 =	sshrl.u32 s4, $0x1  }
0x8: {  	[smem:$0x7FF] =	sst s2;
	s29 =	sadd.s32 $0x6600, s3;
	s4 =	ssub.s32 s4, s6  }
0x9: {  	p0 =	sne.s32 s7, $0x0;
	_ =	strace $0x80000047;
	s4 =	smax.u32 s4, $0x1  }
0xa: {  	s8 =	sor.u32 s7, s5;
	s5 =	sadd.s32 s5, s3;
	s17 =	sadd.s32 $0xFFFFFFFF, s4  }
0xb: {  	s7 =	simm.s32 $0x400;
	s28 =	smul.u32 $0x1388, s8;
	p2 =	sne.s32 s17, $0x0  }
.Ltmp0:
0xc: {  	s3 =	sadd.s32 $0xB600, s5;
	s5 =	simm.s32 $0x1;
	(pc) =	sbr.rel @!p2 .LBB2_3-.Ltmp0, $4  }
0xd: {  	s8 =	simm.s32 $0x3E8;
	s30 =	sshrl.u32 s28, $0x3;
	s9 =	sadd.s32 $0x3E8, s28  }
0xe: {  	s6 =	sadd.s32 $0xBB8, s28;
	s4 =	sshrl.u32 @!p0 s1, $0x3;
	s31 =	sshrl.u32 s9, $0x3  }
0xf: {  	s14 =	sadd.s32 s29, s30;
	s6 =	sshrl.u32 s6, $0x3;
	s13 =	sadd.s32 s29, s31  }
0x10: {  	s12 =	sadd.s32 $0xFA, s14;
	s9 =	sadd.s32 s29, s6;
	s6 =	sadd.s32 $0x1F4, s14  }
0x11: {  	s16 =	simm.s32 @!p0 $0x1C01;
	s15 =	simm.s32 @!p0 $0x1  }
0x12: {  	[spmem:s4], [sflag:s16] =	dma.local @!p0 [hbm:s11], $0x4F0  }
0x13: {  	_ =	swait.ge @!p0 [sflag:s15], $0x4F0  }
0x14: {  	[sflag:s15] =	ssyncset.done @!p0 $0x0  }
0x15: {  	[sflag:s15] =	ssyncadd.s32 @!p0 $0xFFFFFB10  }
0x16: {  	[tilespmem:s7], [sflag:$0x1] =	stream.linear.gather [hbm4b:s10+s2], $0x400, $0x38;
	[tilespmem:$0xA78] =	vst v63  }
0x17: {  	_ =	swait.ge [sflag:s5], $0x400  }
0x18: {  	[sflag:s5] =	ssyncset.done $0x0  }
0x19: {  	[sflag:s5] =	ssyncadd.s32 $0xFFFFFC00  }
0x1a: {  	[bflag:$0x0] =	sbarrier.arrive $0xFFFF  }
0x1b: {  	[tilespmem:s2], [sflag:$0x1] =	stream.linear.gather [hbm4b:s14+s2], $0x3E8, $0x38;
	[tilespmem:$0xA78] =	vst v63  }
0x1c: {  	_ =	swait.ge [sflag:s5], $0x3E8  }
0x1d: {  	[sflag:s5] =	ssyncset.done $0x0  }
0x1e: {  	[sflag:s5] =	ssyncadd.s32 $0xFFFFFC18  }
0x1f: {  	[spmem:s1] =	stream.indirect.scatter.add.f32 [tilespmem:s7], [sflag:$0x1], $0x1, s2, s8, $0xb8;
	[tilespmem:$0xA78] =	vst v63  }
0x20: {  	_ =	swait.ge [sflag:s5], $0x3E8  }
0x21: {  	[sflag:s5] =	ssyncset.done $0x0  }
0x22: {  	[sflag:s5] =	ssyncadd.s32 $0xFFFFFC18  }
0x23: {  	[tilespmem:s2], [sflag:$0x1] =	stream.linear.gather [hbm4b:s13+s2], $0x3E8, $0x38;
	[tilespmem:$0xA78] =	vst v63  }
0x24: {  	_ =	swait.ge [sflag:s5], $0x3E8  }
0x25: {  	[sflag:s5] =	ssyncset.done $0x0  }
0x26: {  	[sflag:s5] =	ssyncadd.s32 $0xFFFFFC18  }
0x27: {  	[spmem:s1] =	stream.indirect.scatter.add.f32 [tilespmem:s7], [sflag:$0x1], $0x1, s2, s8, $0xb8;
	[tilespmem:$0xA78] =	vst v63  }
0x28: {  	_ =	swait.ge [sflag:s5], $0x3E8  }
0x29: {  	[sflag:s5] =	ssyncset.done $0x0  }
0x2a: {  	[sflag:s5] =	ssyncadd.s32 $0xFFFFFC18  }
0x2b: {  	[tilespmem:s2], [sflag:$0x1] =	stream.linear.gather [hbm4b:s12+s2], $0x3E8, $0x38;
	[tilespmem:$0xA78] =	vst v63  }
0x2c: {  	_ =	swait.ge [sflag:s5], $0x3E8  }
0x2d: {  	[sflag:s5] =	ssyncset.done $0x0  }
0x2e: {  	[sflag:s5] =	ssyncadd.s32 $0xFFFFFC18  }
0x2f: {  	[spmem:s1] =	stream.indirect.scatter.add.f32 [tilespmem:s7], [sflag:$0x1], $0x1, s2, s8, $0xb8;
	[tilespmem:$0xA78] =	vst v63  }
0x30: {  	_ =	swait.ge [sflag:s5], $0x3E8  }
0x31: {  	[sflag:s5] =	ssyncset.done $0x0  }
0x32: {  	[sflag:s5] =	ssyncadd.s32 $0xFFFFFC18  }
0x33: {  	[tilespmem:s2], [sflag:$0x1] =	stream.linear.gather [hbm4b:s9+s2], $0x3E8, $0x38;
	[tilespmem:$0xA78] =	vst v63  }
0x34: {  	_ =	swait.ge [sflag:s5], $0x3E8  }
0x35: {  	[sflag:s5] =	ssyncset.done $0x0  }
0x36: {  	[sflag:s5] =	ssyncadd.s32 $0xFFFFFC18  }
0x37: {  	[spmem:s1] =	stream.indirect.scatter.add.f32 [tilespmem:s7], [sflag:$0x1], $0x1, s2, s8, $0xb8;
	[tilespmem:$0xA78] =	vst v63  }
0x38: {  	_ =	swait.ge [sflag:s5], $0x3E8  }
0x39: {  	[sflag:s5] =	ssyncset.done $0x0  }
0x3a: {  	[sflag:s5] =	ssyncadd.s32 $0xFFFFFC18  }
0x3b: {  	[tilespmem:s2], [sflag:$0x1] =	stream.linear.gather [hbm4b:s6+s2], $0x3E8, $0x38;
	[tilespmem:$0xA78] =	vst v63  }
0x3c: {  	_ =	swait.ge [sflag:s5], $0x3E8  }
0x3d: {  	[sflag:s5] =	ssyncset.done $0x0  }
0x3e: {  	[sflag:s5] =	ssyncadd.s32 $0xFFFFFC18  }
0x3f: {  	[spmem:s1] =	stream.indirect.scatter.add.f32 [tilespmem:s7], [sflag:$0x1], $0x1, s2, s8, $0xb8;
	[tilespmem:$0xA78] =	vst v63  }
0x40: {  	s17 =	sadd.s32 $0xFFFFFFFF, s17;
	_ =	swait.ge [sflag:s5], $0x3E8  }
0x41: {  	p2 =	sne.s32 s17, $0x0;
	[sflag:s5] =	ssyncset.done $0x0  }
.Ltmp1:
0x42: {  	[sflag:s5] =	ssyncadd.s32 $0xFFFFFC18;
	(pc) =	sbr.rel @!p2 .LBB2_3-.Ltmp1, $4  }
0x43: {  	s18 =	simm.s32 @!p0 $0x20;
	s19 =	simm.s32 @!p0 $0x10;
	[bflag:$0x0] =	sbarrier.arrive $0xFFFF  }
0x44: {  	[hbm:s3@s18], [sflag:s16] =	dma.strided @!p0 [spmem:s4@s19], $0x4F0, s15, $0x10   }
0x45: {  	_ =	swait.ge @!p0 [sflag:s15], $0x4F0  }
0x46: {  	p1 =	por $0x1, $0x1;
	[sflag:s15] =	ssyncset.done @!p0 $0x0  }
.LBB2_2:
0x47: {  	[sflag:s15] =	ssyncadd.s32 @!p0 $0xFFFFFB10  }
0x48: {  	[spmem:s4], [sflag:s16] =	dma.local @!p0 [hbm:s11], $0x4F0  }
0x49: {  	s17 =	sadd.s32 $0xFFFFFFFF, s17;
	_ =	swait.ge @!p0 [sflag:s15], $0x4F0  }
0x4a: {  	p2 =	sne.s32 s17, $0x0;
	[sflag:s15] =	ssyncset.done @!p0 $0x0  }
0x4b: {  	[sflag:s15] =	ssyncadd.s32 @!p0 $0xFFFFFB10  }
0x4c: {  	[tilespmem:s7], [sflag:$0x1] =	stream.linear.gather [hbm4b:s10+s2], $0x400, $0x38;
	[tilespmem:$0xA78] =	vst v63  }
0x4d: {  	_ =	swait.ge [sflag:s5], $0x400  }
0x4e: {  	[sflag:s5] =	ssyncset.done $0x0  }
0x4f: {  	[sflag:s5] =	ssyncadd.s32 $0xFFFFFC00  }
0x50: {  	[bflag:$0x0] =	sbarrier.arrive $0xFFFF  }
0x51: {  	[tilespmem:s2], [sflag:$0x1] =	stream.linear.gather [hbm4b:s14+s2], $0x3E8, $0x38;
	[tilespmem:$0xA78] =	vst v63  }
0x52: {  	_ =	swait.ge [sflag:s5], $0x3E8  }
0x53: {  	[sflag:s5] =	ssyncset.done $0x0  }
0x54: {  	[sflag:s5] =	ssyncadd.s32 $0xFFFFFC18  }
0x55: {  	[spmem:s1] =	stream.indirect.scatter.add.f32 [tilespmem:s7], [sflag:$0x1], $0x1, s2, s8, $0xb8;
	[tilespmem:$0xA78] =	vst v63  }
0x56: {  	_ =	swait.ge [sflag:s5], $0x3E8  }
0x57: {  	[sflag:s5] =	ssyncset.done $0x0  }
0x58: {  	[sflag:s5] =	ssyncadd.s32 $0xFFFFFC18  }
0x59: {  	[tilespmem:s2], [sflag:$0x1] =	stream.linear.gather [hbm4b:s13+s2], $0x3E8, $0x38;
	[tilespmem:$0xA78] =	vst v63  }
0x5a: {  	_ =	swait.ge [sflag:s5], $0x3E8  }
0x5b: {  	[sflag:s5] =	ssyncset.done $0x0  }
0x5c: {  	[sflag:s5] =	ssyncadd.s32 $0xFFFFFC18  }
0x5d: {  	[spmem:s1] =	stream.indirect.scatter.add.f32 [tilespmem:s7], [sflag:$0x1], $0x1, s2, s8, $0xb8;
	[tilespmem:$0xA78] =	vst v63  }
0x5e: {  	_ =	swait.ge [sflag:s5], $0x3E8  }
0x5f: {  	[sflag:s5] =	ssyncset.done $0x0  }
0x60: {  	[sflag:s5] =	ssyncadd.s32 $0xFFFFFC18  }
0x61: {  	[tilespmem:s2], [sflag:$0x1] =	stream.linear.gather [hbm4b:s12+s2], $0x3E8, $0x38;
	[tilespmem:$0xA78] =	vst v63  }
0x62: {  	_ =	swait.ge [sflag:s5], $0x3E8  }
0x63: {  	[sflag:s5] =	ssyncset.done $0x0  }
0x64: {  	[sflag:s5] =	ssyncadd.s32 $0xFFFFFC18  }
0x65: {  	[spmem:s1] =	stream.indirect.scatter.add.f32 [tilespmem:s7], [sflag:$0x1], $0x1, s2, s8, $0xb8;
	[tilespmem:$0xA78] =	vst v63  }
0x66: {  	_ =	swait.ge [sflag:s5], $0x3E8  }
0x67: {  	[sflag:s5] =	ssyncset.done $0x0  }
0x68: {  	[sflag:s5] =	ssyncadd.s32 $0xFFFFFC18  }
0x69: {  	[tilespmem:s2], [sflag:$0x1] =	stream.linear.gather [hbm4b:s9+s2], $0x3E8, $0x38;
	[tilespmem:$0xA78] =	vst v63  }
0x6a: {  	_ =	swait.ge [sflag:s5], $0x3E8  }
0x6b: {  	[sflag:s5] =	ssyncset.done $0x0  }
0x6c: {  	[sflag:s5] =	ssyncadd.s32 $0xFFFFFC18  }
0x6d: {  	[spmem:s1] =	stream.indirect.scatter.add.f32 [tilespmem:s7], [sflag:$0x1], $0x1, s2, s8, $0xb8;
	[tilespmem:$0xA78] =	vst v63  }
0x6e: {  	_ =	swait.ge [sflag:s5], $0x3E8  }
0x6f: {  	[sflag:s5] =	ssyncset.done $0x0  }
0x70: {  	[sflag:s5] =	ssyncadd.s32 $0xFFFFFC18  }
0x71: {  	[tilespmem:s2], [sflag:$0x1] =	stream.linear.gather [hbm4b:s6+s2], $0x3E8, $0x38;
	[tilespmem:$0xA78] =	vst v63  }
0x72: {  	_ =	swait.ge [sflag:s5], $0x3E8  }
0x73: {  	[sflag:s5] =	ssyncset.done $0x0  }
0x74: {  	[sflag:s5] =	ssyncadd.s32 $0xFFFFFC18  }
0x75: {  	[spmem:s1] =	stream.indirect.scatter.add.f32 [tilespmem:s7], [sflag:$0x1], $0x1, s2, s8, $0xb8;
	[tilespmem:$0xA78] =	vst v63  }
0x76: {  	_ =	swait.ge [sflag:s5], $0x3E8  }
0x77: {  	[sflag:s5] =	ssyncset.done $0x0  }
.Ltmp2:
0x78: {  	[sflag:s5] =	ssyncadd.s32 $0xFFFFFC18;
	(pc) =	sbr.rel @p2 .LBB2_2-.Ltmp2, $4  }
0x79: {  	[bflag:$0x0] =	sbarrier.arrive $0xFFFF  }
0x7a: {  	[hbm:s3@s18], [sflag:s16] =	dma.strided @!p0 [spmem:s4@s19], $0x4F0, s15, $0x10   }
0x7b: {  	_ =	swait.ge @!p0 [sflag:s15], $0x4F0  }
0x7c: {  	[sflag:s15] =	ssyncset.done @!p0 $0x0  }
.LBB2_3:
0x7d: {  	p1 =	por p0, !p1  }
0x7e: {  	s16 =	simm.s32 @!p0 $0x1C01;
	s17 =	simm.s32 @!p0 $0x1;
	[sflag:s15] =	ssyncadd.s32 @!p1 $0xFFFFFB10  }
0x7f: {  	[spmem:s4], [sflag:s16] =	dma.local @!p0 [hbm:s11], $0x4F0  }
0x80: {  	_ =	swait.ge @!p0 [sflag:s17], $0x4F0  }
0x81: {  	[sflag:s17] =	ssyncset.done @!p0 $0x0  }
0x82: {  	[sflag:s17] =	ssyncadd.s32 @!p0 $0xFFFFFB10  }
0x83: {  	[tilespmem:s7], [sflag:$0x1] =	stream.linear.gather [hbm4b:s10+s2], $0x400, $0x38;
	[tilespmem:$0xA78] =	vst v63  }
0x84: {  	_ =	swait.ge [sflag:s5], $0x400  }
0x85: {  	[sflag:s5] =	ssyncset.done $0x0  }
0x86: {  	[sflag:s5] =	ssyncadd.s32 $0xFFFFFC00  }
0x87: {  	[bflag:$0x0] =	sbarrier.arrive $0xFFFF  }
0x88: {  	[tilespmem:s2], [sflag:$0x1] =	stream.linear.gather [hbm4b:s14+s2], $0x3E8, $0x38;
	[tilespmem:$0xA78] =	vst v63  }
0x89: {  	_ =	swait.ge [sflag:s5], $0x3E8  }
0x8a: {  	[sflag:s5] =	ssyncset.done $0x0  }
0x8b: {  	[sflag:s5] =	ssyncadd.s32 $0xFFFFFC18  }
0x8c: {  	[spmem:s1] =	stream.indirect.scatter.add.f32 [tilespmem:s7], [sflag:$0x1], $0x1, s2, s8, $0xb8;
	[tilespmem:$0xA78] =	vst v63  }
0x8d: {  	_ =	swait.ge [sflag:s5], $0x3E8  }
0x8e: {  	[sflag:s5] =	ssyncset.done $0x0  }
0x8f: {  	[sflag:s5] =	ssyncadd.s32 $0xFFFFFC18  }
0x90: {  	[tilespmem:s2], [sflag:$0x1] =	stream.linear.gather [hbm4b:s13+s2], $0x3E8, $0x38;
	[tilespmem:$0xA78] =	vst v63  }
0x91: {  	_ =	swait.ge [sflag:s5], $0x3E8  }
0x92: {  	[sflag:s5] =	ssyncset.done $0x0  }
0x93: {  	[sflag:s5] =	ssyncadd.s32 $0xFFFFFC18  }
0x94: {  	[spmem:s1] =	stream.indirect.scatter.add.f32 [tilespmem:s7], [sflag:$0x1], $0x1, s2, s8, $0xb8;
	[tilespmem:$0xA78] =	vst v63  }
0x95: {  	_ =	swait.ge [sflag:s5], $0x3E8  }
0x96: {  	[sflag:s5] =	ssyncset.done $0x0  }
0x97: {  	[sflag:s5] =	ssyncadd.s32 $0xFFFFFC18  }
0x98: {  	[tilespmem:s2], [sflag:$0x1] =	stream.linear.gather [hbm4b:s12+s2], $0x3E8, $0x38;
	[tilespmem:$0xA78] =	vst v63  }
0x99: {  	_ =	swait.ge [sflag:s5], $0x3E8  }
0x9a: {  	[sflag:s5] =	ssyncset.done $0x0  }
0x9b: {  	[sflag:s5] =	ssyncadd.s32 $0xFFFFFC18  }
0x9c: {  	[spmem:s1] =	stream.indirect.scatter.add.f32 [tilespmem:s7], [sflag:$0x1], $0x1, s2, s8, $0xb8;
	[tilespmem:$0xA78] =	vst v63  }
0x9d: {  	_ =	swait.ge [sflag:s5], $0x3E8  }
0x9e: {  	[sflag:s5] =	ssyncset.done $0x0  }
0x9f: {  	[sflag:s5] =	ssyncadd.s32 $0xFFFFFC18  }
0xa0: {  	[tilespmem:s2], [sflag:$0x1] =	stream.linear.gather [hbm4b:s9+s2], $0x3E8, $0x38;
	[tilespmem:$0xA78] =	vst v63  }
0xa1: {  	_ =	swait.ge [sflag:s5], $0x3E8  }
0xa2: {  	[sflag:s5] =	ssyncset.done $0x0  }
0xa3: {  	[sflag:s5] =	ssyncadd.s32 $0xFFFFFC18  }
0xa4: {  	[spmem:s1] =	stream.indirect.scatter.add.f32 [tilespmem:s7], [sflag:$0x1], $0x1, s2, s8, $0xb8;
	[tilespmem:$0xA78] =	vst v63  }
0xa5: {  	_ =	swait.ge [sflag:s5], $0x3E8  }
0xa6: {  	[sflag:s5] =	ssyncset.done $0x0  }
0xa7: {  	[sflag:s5] =	ssyncadd.s32 $0xFFFFFC18  }
0xa8: {  	[tilespmem:s2], [sflag:$0x1] =	stream.linear.gather [hbm4b:s6+s2], $0x3E8, $0x38;
	[tilespmem:$0xA78] =	vst v63  }
0xa9: {  	_ =	swait.ge [sflag:s5], $0x3E8  }
0xaa: {  	[sflag:s5] =	ssyncset.done $0x0  }
0xab: {  	[sflag:s5] =	ssyncadd.s32 $0xFFFFFC18  }
0xac: {  	[spmem:s1] =	stream.indirect.scatter.add.f32 [tilespmem:s7], [sflag:$0x1], $0x1, s2, s8, $0xb8;
	[tilespmem:$0xA78] =	vst v63  }
0xad: {  	_ =	swait.ge [sflag:s5], $0x3E8  }
0xae: {  	[sflag:s5] =	ssyncset.done $0x0  }
0xaf: {  	[sflag:s5] =	ssyncadd.s32 $0xFFFFFC18  }
0xb0: {  	s1 =	simm.s32 @!p0 $0x20;
	s2 =	simm.s32 @!p0 $0x10;
	[bflag:$0x0] =	sbarrier.arrive $0xFFFF  }
0xb1: {  	[hbm:s3@s1], [sflag:s16] =	dma.strided @!p0 [spmem:s4@s2], $0x4F0, s17, $0x10   }
0xb2: {  	_ =	swait.ge @!p0 [sflag:s17], $0x4F0  }
0xb3: {  	[sflag:s17] =	ssyncset.done @!p0 $0x0  }
0xb4: {  	[sflag:s17] =	ssyncadd.s32 @!p0 $0xFFFFFB10  }
0xb5: {  	_ =	sfence.sel $0x180000  }
0xb6: {  	[bflag:$0x0] =	sbarrier.arrive $0xFFFF  }
0xb7: {  	_ =	strace $0x90000047  }
0xb8: {  	s0 =	sadd.s32 @!p0 $0x100000, s0;
	[bflag:$0x2] =	sbarrier.arrive $0xFFFF  }
0xb9: {  	[sflag:s0] =	ssyncadd.tile.s32 @!p0 $0x1;
	_ =	shalt  }
.Lfunc_end2:
_tile_overlayer_lowered:
.L_overlay_start_2:
0xba: {  	(tag) =	ssettag $0x2  }
0xbb: {  	s0 =	rddreg [dreg:$0x0];
	s2 =	stileid.u32  }
0xbc: {  	s1 =	rddreg [dreg:$0x1];
	p0 =	sne.s32 s2, $0x0  }
0xbd: {  	s3 =	rddreg [dreg:$0x2];
	[bflag:$0x3] =	sbarrier.arrive $0xFFFF;
	s2 =	simm.s32 @!p0 $0x1C01  }
0xbe: {  	[timem:s3], [sflag:s2] =	dma.local @!p0 [hbm:s0], s1  }
0xbf: {  	s0 =	simm.s32 @!p0 $0x1  }
0xc0: {  	_ =	swait.ge @!p0 [sflag:s0], s1  }
0xc1: {  	s1 =	ssub.s32 @!p0 $0x0, s1;
	[sflag:s0] =	ssyncset.done @!p0 $0x0  }
0xc2: {  	[sflag:s0] =	ssyncadd.s32 @!p0 s1  }
0xc3: {  	[bflag:$0x3] =	sbarrier.arrive $0xFFFF  }
0xc4: {  	_ =	shalt  }

</sc_bundles>
